<compile_context>
chip_gen: v7x
topology: tpu7x:2x2x1
jax: 0.10.2.dev20260603
libtpu: 0.0.44.dev20260713+nightly
codegen_flags: <defaults>
</compile_context>

<pallas_src>
import functools
import math

import jax
import jax.numpy as jnp
from jax import lax
from jax.experimental import pallas as pl
from jax.experimental.pallas import tpu as pltpu
from jax.experimental.pallas import tpu_sc as plsc

NC = 2
NS = 16
L = 16


def _pre_kernel(b1_ref, x_ref, gf_ref, w1a_ref, w1b_ref, t_ref, s_ref,
                *, G, Gp):
    i = pl.program_id(0)

    @pl.when(i == 0)
    def _s():
        s = lax.dot_general(jnp.maximum(gf_ref[...], 0.0), w1a_ref[...],
                            (((1,), (0,)), ((), ())),
                            preferred_element_type=jnp.float32)
        s_ref[0:G, :] = s + b1_ref[0, 0]
        s_ref[G:Gp, :] = jnp.zeros((Gp - G, 1), jnp.float32)

    t_ref[...] = lax.dot_general(x_ref[...], w1b_ref[...],
                                 (((1,), (0,)), ((), ())),
                                 preferred_element_type=jnp.float32)


def _pre(node_feats, g_feats, W1, b1, Gp, BT):
    V, F = node_feats.shape
    G = g_feats.shape[0]
    nb = V // BT
    return pl.pallas_call(
        functools.partial(_pre_kernel, G=G, Gp=Gp),
        grid=(nb,),
        in_specs=[
            pl.BlockSpec(memory_space=pltpu.SMEM),
            pl.BlockSpec((BT, F), lambda i: (i, 0)),
            pl.BlockSpec((G, F), lambda i: (0, 0)),
            pl.BlockSpec((F, 1), lambda i: (0, 0)),
            pl.BlockSpec((F, 1), lambda i: (0, 0)),
        ],
        out_specs=[
            pl.BlockSpec((BT, 1), lambda i: (i, 0)),
            pl.BlockSpec((Gp, 1), lambda i: (0, 0)),
        ],
        out_shape=[
            jax.ShapeDtypeStruct((V, 1), jnp.float32),
            jax.ShapeDtypeStruct((Gp, 1), jnp.float32),
        ],
    )(b1.reshape(1, 1), node_feats, g_feats, W1[:F], W1[F:])


def _sc_body(x_hbm, ids_hbm, t_hbm, s_hbm, u_out, d_out,
             ids_l, tb, s_v, xb, ezb, u_l, d_l, *, V, F, Gp, GW):
    cid = lax.axis_index("c")
    sid = lax.axis_index("s")
    w = cid * NS + sid
    gbase = w * GW
    KF = F // L
    NG = 6
    NB = NG * L
    iota = lax.iota(jnp.int32, L)

    pltpu.sync_copy(ids_hbm, ids_l)
    pltpu.sync_copy(s_hbm, s_v)

    lo = jnp.int32(0)
    p2 = 1
    while p2 * 2 <= V:
        p2 *= 2
    while p2 >= 1:
        cand = lo + p2
        probe = jnp.minimum(cand - 1, V - 1)
        pv = plsc.load_gather(ids_l, [jnp.full((L,), probe, jnp.int32)])
        ok = jnp.logical_and(cand <= V, jnp.max(pv) < gbase)
        lo = jnp.where(ok, lo + p2, lo)
        p2 //= 2

    def gloop(gl, ptr):
        gg = gbase + gl
        sgv = plsc.load_gather(s_v, [jnp.full((L,), gg, jnp.int32)])
        zero = jnp.zeros((L,), jnp.float32)

        def cond(st):
            return st[0]

        def body(st):
            ptr_ = st[1]
            dacc = st[2]
            accs = st[3:]
            p = jnp.minimum((ptr_ // 8) * 8, V - NB)
            pltpu.sync_copy(x_hbm.at[pl.ds(p, NB), :], xb)
            pltpu.sync_copy(t_hbm.at[pl.ds(p, NB)], tb)
            nm = jnp.int32(0)
            dadd = jnp.zeros((L,), jnp.float32)
            for g in range(NG):
                absg = p + g * L + iota
                idg = plsc.load_gather(ids_l, [absg])
                tvg = tb[pl.ds(g * L, L)]
                maskg = jnp.logical_and(idg == gg, absg >= ptr_)
                zg = sgv + tvg
                zg = jnp.where(zg >= 0.0, zg, 0.01 * zg)
                ezg = jnp.where(maskg, jnp.exp(zg), 0.0)
                ezb[pl.ds(g * L, L)] = ezg
                dadd = dadd + ezg
                nm = nm + jnp.sum(jnp.where(maskg, 1, 0))

            def jloop(j, a):
                es = plsc.load_gather(ezb, [jnp.full((L,), j, jnp.int32)])
                return tuple(a[k] + xb[j, pl.ds(k * L, L)] * es
                             for k in range(KF))
            new_accs = lax.fori_loop(0, NB, jloop, tuple(accs))
            avail = p + NB - ptr_
            go = jnp.logical_and(nm == avail, avail > 0)
            return (go, ptr_ + nm, dacc + dadd) + tuple(new_accs)

        init = (jnp.bool_(True), ptr, zero) + (zero,) * KF
        st = lax.while_loop(cond, body, init)
        for k in range(KF):
            u_l[gl, pl.ds(k * L, L)] = st[3 + k]
        d_l[gl, :] = st[2]
        return st[1]

    lax.fori_loop(0, GW, gloop, lo)
    pltpu.sync_copy(u_l, u_out.at[pl.ds(gbase, GW), :])
    pltpu.sync_copy(d_l, d_out.at[pl.ds(gbase, GW), :])


def _sc_stage(node_feats, graph_ids, t, s, Gp):
    V, F = node_feats.shape
    GW = Gp // (NC * NS)
    mesh = plsc.VectorSubcoreMesh(core_axis_name="c", subcore_axis_name="s")
    return pl.kernel(
        functools.partial(_sc_body, V=V, F=F, Gp=Gp, GW=GW),
        out_type=[
            jax.ShapeDtypeStruct((Gp, F), jnp.float32),
            jax.ShapeDtypeStruct((Gp, L), jnp.float32),
        ],
        mesh=mesh,
        compiler_params=pltpu.CompilerParams(needs_layout_passes=False),
        scratch_types=[
            pltpu.VMEM((V,), jnp.int32),
            pltpu.VMEM((96,), jnp.float32),
            pltpu.VMEM((Gp,), jnp.float32),
            pltpu.VMEM((96, F), jnp.float32),
            pltpu.VMEM((96,), jnp.float32),
            pltpu.VMEM((GW, F), jnp.float32),
            pltpu.VMEM((GW, L), jnp.float32),
        ],
    )(node_feats, graph_ids, t, s)


def _final_kernel(u_ref, d2_ref, w2_ref, b2_ref, out_ref, *, G):
    d = jnp.sum(d2_ref[...], axis=1, keepdims=True)
    dsafe = jnp.where(d > 0, d, 1.0)
    S = u_ref[...] / dsafe
    rep = lax.dot_general(S, w2_ref[...], (((1,), (0,)), ((), ())),
                          preferred_element_type=jnp.float32)
    rep = rep + jnp.where(d > 0, 1.0, 0.0) * b2_ref[...]
    out_ref[...] = rep[0:G, :]


def _final(u, d2, W2, b2, G):
    Gp, F = u.shape
    return pl.pallas_call(
        functools.partial(_final_kernel, G=G),
        in_specs=[
            pl.BlockSpec((Gp, F), lambda: (0, 0)),
            pl.BlockSpec((Gp, L), lambda: (0, 0)),
            pl.BlockSpec((F, F), lambda: (0, 0)),
            pl.BlockSpec((1, F), lambda: (0, 0)),
        ],
        out_specs=pl.BlockSpec((G, F), lambda: (0, 0)),
        out_shape=jax.ShapeDtypeStruct((G, F), jnp.float32),
    )(u, d2, W2, b2.reshape(1, F))


@jax.jit
def kernel(node_feats, g_feats, graph_ids, W1, b1, W2, b2):
    V, F = node_feats.shape
    G = g_feats.shape[0]
    NW = NC * NS
    Gp = math.ceil(G / (NW * 8)) * (NW * 8)
    BT = next(b for b in (1000, 512, 500, 400, 256, 250, 200, 128, 125,
                          100, 64, 50, 40, 32, 25, 16, 8, V) if V % b == 0)

    t, s = _pre(node_feats, g_feats, W1, b1, Gp, BT)
    u, d2 = _sc_stage(node_feats, graph_ids.astype(jnp.int32),
                      t.reshape(V), s.reshape(Gp), Gp)
    return _final(u, d2, W2, b2, G)

# --- scband reference (transcript-rebuilt; emitter-appended) ---
"""Pipeline reference for scband-global-pool-40527311405458 (READ-ONLY COPY).

The authoritative reference and input builder live on the scoring server;
editing this copy changes nothing except your own understanding.
"""

import jax, jax.numpy as jnp
import numpy as np

V = 50000
G = 1000
FEAT = 512


def setup_inputs(seed: int = 0) -> dict:
    key = jax.random.key(seed)
    k1, k2, k3, k4, k5, k6, k7 = jax.random.split(key, 7)
    node_feats = jax.random.normal(k1, (V, FEAT), dtype=jnp.float32)
    g_feats = jax.random.normal(k2, (G, FEAT), dtype=jnp.float32)
    graph_ids = jnp.sort(jax.random.randint(k3, (V,), 0, G, dtype=jnp.int32))
    # compute_logits: Linear(2*feat_size, 1)
    W1 = jax.random.normal(k4, (2 * FEAT, 1), dtype=jnp.float32) * 0.02
    b1 = jnp.zeros((1,), dtype=jnp.float32)
    # project_nodes: Dropout(p) [identity at eval] + Linear(feat_size, feat_size)
    W2 = jax.random.normal(k5, (FEAT, FEAT), dtype=jnp.float32) * 0.02
    b2 = jnp.zeros((FEAT,), dtype=jnp.float32)
    return {"node_feats": node_feats, "g_feats": g_feats, "graph_ids": graph_ids,
            "W1": W1, "b1": b1, "W2": W2, "b2": b2}


def reference(node_feats, g_feats, graph_ids, W1, b1, W2, b2):
    # broadcast_nodes(g, relu(g_feats)) -> gather graph features to each node
    g_broadcast = jnp.maximum(g_feats, 0.0)[graph_ids]  # [V, FEAT]
    cat = jnp.concatenate([g_broadcast, node_feats], axis=1)  # [V, 2*FEAT]
    z = cat @ W1 + b1  # [V, 1]
    z = jnp.where(z >= 0, z, 0.01 * z)  # LeakyReLU (default negative_slope=0.01)
    # softmax_nodes: per-graph softmax over node logits
    zmax = jax.ops.segment_max(z, graph_ids, num_segments=G)  # [G, 1]
    zmax = jnp.where(jnp.isfinite(zmax), zmax, 0.0)  # guard empty segments
    ez = jnp.exp(z - zmax[graph_ids])  # [V, 1]
    denom = jax.ops.segment_sum(ez, graph_ids, num_segments=G)  # [G, 1]
    a = ez / denom[graph_ids]  # [V, 1]
    # project_nodes (dropout is identity at inference)
    hv = node_feats @ W2 + b2  # [V, FEAT]
    # sum_nodes(g, 'hv', weight='a')
    g_repr = jax.ops.segment_sum(a * hv, graph_ids, num_segments=G)  # [G, FEAT]
    return g_repr

if __name__ == "__main__":
    import jax
    _d = setup_inputs()
    print(jax.jit(kernel)(*tuple(_d.values())))

</pallas_src>

<mosaic_0001>
#map = affine_map<(d0, d1) -> (0, 0)>
#map1 = affine_map<(d0, d1) -> (0)>
module attributes {stable_mosaic.version = 14 : i64} {
  func.func @_sc_body(%arg0: i32, %arg1: i32, %arg2: memref<50000x512xf32, #tpu.memory_space<hbm>>, %arg3: memref<50000xi32, #tpu.memory_space<hbm>>, %arg4: memref<50000xf32, #tpu.memory_space<hbm>>, %arg5: memref<1024xf32, #tpu.memory_space<hbm>>, %arg6: memref<1024x512xf32, #tpu.memory_space<hbm>>, %arg7: memref<1024x16xf32, #tpu.memory_space<hbm>>, %arg8: memref<50000xi32, #tpu.memory_space<vmem>>, %arg9: memref<96xf32, #tpu.memory_space<vmem>>, %arg10: memref<1024xf32, #tpu.memory_space<vmem>>, %arg11: memref<96x512xf32, #tpu.memory_space<vmem>>, %arg12: memref<96xf32, #tpu.memory_space<vmem>>, %arg13: memref<32x512xf32, #tpu.memory_space<vmem>>, %arg14: memref<32x16xf32, #tpu.memory_space<vmem>>) attributes {dimension_semantics = [#tpu.dimension_semantics<core_parallel>, #tpu.dimension_semantics<subcore_parallel>], iteration_bounds = array<i64: 2, 16>, scalar_prefetch = 0 : i64, scratch_operands = 7 : i64, tpu.core_type = #tpu.core_type<sc_vector_subcore>, window_params = [{transform_indices = #map}, {transform_indices = #map1}, {transform_indices = #map1}, {transform_indices = #map1}, {transform_indices = #map}, {transform_indices = #map}]} {
    %mul3A = arith.constant 16 : i32
    %mul3A_0 = arith.muli %arg0, %mul3A : i32
    %add3A = arith.addi %mul3A_0, %arg1 : i32
    %mul3A_1 = arith.constant 32 : i32
    %mul3A_2 = arith.muli %add3A, %mul3A_1 : i32
    %iota3A = tpu.iota {dimensions = array<i32: 0>} : vector<16xi32>
    "tpu.region"() ({
      %run_scoped3A = tpu.sem_alloc : memref<!tpu.dma_semaphore, #tpu.memory_space<semaphore_mem>>
      tpu.enqueue_dma source(%arg3 : memref<50000xi32, #tpu.memory_space<hbm>>) target(%arg8 : memref<50000xi32, #tpu.memory_space<vmem>>) target_semaphore(%run_scoped3A : memref<!tpu.dma_semaphore, #tpu.memory_space<semaphore_mem>>)
      tpu.wait_dma2 semaphore(%run_scoped3A : memref<!tpu.dma_semaphore, #tpu.memory_space<semaphore_mem>>) src(%arg3 : memref<50000xi32, #tpu.memory_space<hbm>>) dst(%arg8 : memref<50000xi32, #tpu.memory_space<vmem>>)
      tpu.yield
    }) : () -> ()
    "tpu.region"() ({
      %run_scoped3A = tpu.sem_alloc : memref<!tpu.dma_semaphore, #tpu.memory_space<semaphore_mem>>
      tpu.enqueue_dma source(%arg5 : memref<1024xf32, #tpu.memory_space<hbm>>) target(%arg10 : memref<1024xf32, #tpu.memory_space<vmem>>) target_semaphore(%run_scoped3A : memref<!tpu.dma_semaphore, #tpu.memory_space<semaphore_mem>>)
      tpu.wait_dma2 semaphore(%run_scoped3A : memref<!tpu.dma_semaphore, #tpu.memory_space<semaphore_mem>>) src(%arg5 : memref<1024xf32, #tpu.memory_space<hbm>>) dst(%arg10 : memref<1024xf32, #tpu.memory_space<vmem>>)
      tpu.yield
    }) : () -> ()
    %add3A_3 = arith.constant 0 : i32
    %add3A_4 = arith.constant 32768 : i32
    %add3A_5 = arith.addi %add3A_3, %add3A_4 : i32
    %sub3A = arith.constant 1 : i32
    %sub3A_6 = arith.subi %add3A_5, %sub3A : i32
    %min3A = arith.constant 49999 : i32
    %min3A_7 = arith.minsi %sub3A_6, %min3A : i32
    %broadcast_in_dim3A = vector.broadcast %min3A_7 : i32 to vector<16xi32>
    %gather3A = tpu.vector_load_idx %arg8[%broadcast_in_dim3A] : memref<50000xi32, #tpu.memory_space<vmem>>[vector<16xi32>], vector<16xi32>,
    %le3A = arith.constant 50000 : i32
    %le3A_8 = arith.cmpi sle, %add3A_5, %le3A : i32
    %reduce_max3A = arith.constant true
    %reduce_max3A_9 = vector.broadcast %reduce_max3A : i1 to vector<16xi1>
    %reduce_max3A_10 = arith.constant -2147483648 : i32
    %reduce_max3A_11 = vector.broadcast %reduce_max3A_10 : i32 to vector<16xi32>
    %reduce_max3A_12 = arith.xori %gather3A, %reduce_max3A_11 : vector<16xi32>
    %reduce_max3A_13 = tpu.scan <max>, %reduce_max3A_12 masked %reduce_max3A_9 : vector<16xi32>, vector<16xi1> -> vector<16xi32>
    %reduce_max3A_14 = arith.xori %reduce_max3A_13, %reduce_max3A_11 : vector<16xi32>
    %reduce_max3A_15 = vector.extract %reduce_max3A_14[15] : i32 from vector<16xi32>
    %lt3A = arith.cmpi slt, %reduce_max3A_15, %mul3A_2 : i32
    %and3A = arith.andi %le3A_8, %lt3A : i1
    %add3A_16 = arith.constant 0 : i32
    %add3A_17 = arith.constant 32768 : i32
    %add3A_18 = arith.addi %add3A_16, %add3A_17 : i32
    %jit3A = arith.constant 0 : i32
    %select_n3A = arith.select %and3A, %add3A_18, %jit3A : i32
    %add3A_19 = arith.constant 16384 : i32
    %add3A_20 = arith.addi %select_n3A, %add3A_19 : i32
    %sub3A_21 = arith.constant 1 : i32
    %sub3A_22 = arith.subi %add3A_20, %sub3A_21 : i32
    %min3A_23 = arith.constant 49999 : i32
    %min3A_24 = arith.minsi %sub3A_22, %min3A_23 : i32
    %broadcast_in_dim3A_25 = vector.broadcast %min3A_24 : i32 to vector<16xi32>
    %gather3A_26 = tpu.vector_load_idx %arg8[%broadcast_in_dim3A_25] : memref<50000xi32, #tpu.memory_space<vmem>>[vector<16xi32>], vector<16xi32>,
    %le3A_27 = arith.constant 50000 : i32
    %le3A_28 = arith.cmpi sle, %add3A_20, %le3A_27 : i32
    %reduce_max3A_29 = arith.constant true
    %reduce_max3A_30 = vector.broadcast %reduce_max3A_29 : i1 to vector<16xi1>
    %reduce_max3A_31 = arith.constant -2147483648 : i32
    %reduce_max3A_32 = vector.broadcast %reduce_max3A_31 : i32 to vector<16xi32>
    %reduce_max3A_33 = arith.xori %gather3A_26, %reduce_max3A_32 : vector<16xi32>
    %reduce_max3A_34 = tpu.scan <max>, %reduce_max3A_33 masked %reduce_max3A_30 : vector<16xi32>, vector<16xi1> -> vector<16xi32>
    %reduce_max3A_35 = arith.xori %reduce_max3A_34, %reduce_max3A_32 : vector<16xi32>
    %reduce_max3A_36 = vector.extract %reduce_max3A_35[15] : i32 from vector<16xi32>
    %lt3A_37 = arith.cmpi slt, %reduce_max3A_36, %mul3A_2 : i32
    %and3A_38 = arith.andi %le3A_28, %lt3A_37 : i1
    %add3A_39 = arith.constant 16384 : i32
    %add3A_40 = arith.addi %select_n3A, %add3A_39 : i32
    %select_n3A_41 = arith.select %and3A_38, %add3A_40, %select_n3A : i32
    %add3A_42 = arith.constant 8192 : i32
    %add3A_43 = arith.addi %select_n3A_41, %add3A_42 : i32
    %sub3A_44 = arith.constant 1 : i32
    %sub3A_45 = arith.subi %add3A_43, %sub3A_44 : i32
    %min3A_46 = arith.constant 49999 : i32
    %min3A_47 = arith.minsi %sub3A_45, %min3A_46 : i32
    %broadcast_in_dim3A_48 = vector.broadcast %min3A_47 : i32 to vector<16xi32>
    %gather3A_49 = tpu.vector_load_idx %arg8[%broadcast_in_dim3A_48] : memref<50000xi32, #tpu.memory_space<vmem>>[vector<16xi32>], vector<16xi32>,
    %le3A_50 = arith.constant 50000 : i32
    %le3A_51 = arith.cmpi sle, %add3A_43, %le3A_50 : i32
    %reduce_max3A_52 = arith.constant true
    %reduce_max3A_53 = vector.broadcast %reduce_max3A_52 : i1 to vector<16xi1>
    %reduce_max3A_54 = arith.constant -2147483648 : i32
    %reduce_max3A_55 = vector.broadcast %reduce_max3A_54 : i32 to vector<16xi32>
    %reduce_max3A_56 = arith.xori %gather3A_49, %reduce_max3A_55 : vector<16xi32>
    %reduce_max3A_57 = tpu.scan <max>, %reduce_max3A_56 masked %reduce_max3A_53 : vector<16xi32>, vector<16xi1> -> vector<16xi32>
    %reduce_max3A_58 = arith.xori %reduce_max3A_57, %reduce_max3A_55 : vector<16xi32>
    %reduce_max3A_59 = vector.extract %reduce_max3A_58[15] : i32 from vector<16xi32>
    %lt3A_60 = arith.cmpi slt, %reduce_max3A_59, %mul3A_2 : i32
    %and3A_61 = arith.andi %le3A_51, %lt3A_60 : i1
    %add3A_62 = arith.constant 8192 : i32
    %add3A_63 = arith.addi %select_n3A_41, %add3A_62 : i32
    %select_n3A_64 = arith.select %and3A_61, %add3A_63, %select_n3A_41 : i32
    %add3A_65 = arith.constant 4096 : i32
    %add3A_66 = arith.addi %select_n3A_64, %add3A_65 : i32
    %sub3A_67 = arith.constant 1 : i32
    %sub3A_68 = arith.subi %add3A_66, %sub3A_67 : i32
    %min3A_69 = arith.constant 49999 : i32
    %min3A_70 = arith.minsi %sub3A_68, %min3A_69 : i32
    %broadcast_in_dim3A_71 = vector.broadcast %min3A_70 : i32 to vector<16xi32>
    %gather3A_72 = tpu.vector_load_idx %arg8[%broadcast_in_dim3A_71] : memref<50000xi32, #tpu.memory_space<vmem>>[vector<16xi32>], vector<16xi32>,
    %le3A_73 = arith.constant 50000 : i32
    %le3A_74 = arith.cmpi sle, %add3A_66, %le3A_73 : i32
    %reduce_max3A_75 = arith.constant true
    %reduce_max3A_76 = vector.broadcast %reduce_max3A_75 : i1 to vector<16xi1>
    %reduce_max3A_77 = arith.constant -2147483648 : i32
    %reduce_max3A_78 = vector.broadcast %reduce_max3A_77 : i32 to vector<16xi32>
    %reduce_max3A_79 = arith.xori %gather3A_72, %reduce_max3A_78 : vector<16xi32>
    %reduce_max3A_80 = tpu.scan <max>, %reduce_max3A_79 masked %reduce_max3A_76 : vector<16xi32>, vector<16xi1> -> vector<16xi32>
    %reduce_max3A_81 = arith.xori %reduce_max3A_80, %reduce_max3A_78 : vector<16xi32>
    %reduce_max3A_82 = vector.extract %reduce_max3A_81[15] : i32 from vector<16xi32>
    %lt3A_83 = arith.cmpi slt, %reduce_max3A_82, %mul3A_2 : i32
    %and3A_84 = arith.andi %le3A_74, %lt3A_83 : i1
    %add3A_85 = arith.constant 4096 : i32
    %add3A_86 = arith.addi %select_n3A_64, %add3A_85 : i32
    %select_n3A_87 = arith.select %and3A_84, %add3A_86, %select_n3A_64 : i32
    %add3A_88 = arith.constant 2048 : i32
    %add3A_89 = arith.addi %select_n3A_87, %add3A_88 : i32
    %sub3A_90 = arith.constant 1 : i32
    %sub3A_91 = arith.subi %add3A_89, %sub3A_90 : i32
    %min3A_92 = arith.constant 49999 : i32
    %min3A_93 = arith.minsi %sub3A_91, %min3A_92 : i32
    %broadcast_in_dim3A_94 = vector.broadcast %min3A_93 : i32 to vector<16xi32>
    %gather3A_95 = tpu.vector_load_idx %arg8[%broadcast_in_dim3A_94] : memref<50000xi32, #tpu.memory_space<vmem>>[vector<16xi32>], vector<16xi32>,
    %le3A_96 = arith.constant 50000 : i32
    %le3A_97 = arith.cmpi sle, %add3A_89, %le3A_96 : i32
    %reduce_max3A_98 = arith.constant true
    %reduce_max3A_99 = vector.broadcast %reduce_max3A_98 : i1 to vector<16xi1>
    %reduce_max3A_100 = arith.constant -2147483648 : i32
    %reduce_max3A_101 = vector.broadcast %reduce_max3A_100 : i32 to vector<16xi32>
    %reduce_max3A_102 = arith.xori %gather3A_95, %reduce_max3A_101 : vector<16xi32>
    %reduce_max3A_103 = tpu.scan <max>, %reduce_max3A_102 masked %reduce_max3A_99 : vector<16xi32>, vector<16xi1> -> vector<16xi32>
    %reduce_max3A_104 = arith.xori %reduce_max3A_103, %reduce_max3A_101 : vector<16xi32>
    %reduce_max3A_105 = vector.extract %reduce_max3A_104[15] : i32 from vector<16xi32>
    %lt3A_106 = arith.cmpi slt, %reduce_max3A_105, %mul3A_2 : i32
    %and3A_107 = arith.andi %le3A_97, %lt3A_106 : i1
    %add3A_108 = arith.constant 2048 : i32
    %add3A_109 = arith.addi %select_n3A_87, %add3A_108 : i32
    %select_n3A_110 = arith.select %and3A_107, %add3A_109, %select_n3A_87 : i32
    %add3A_111 = arith.constant 1024 : i32
    %add3A_112 = arith.addi %select_n3A_110, %add3A_111 : i32
    %sub3A_113 = arith.constant 1 : i32
    %sub3A_114 = arith.subi %add3A_112, %sub3A_113 : i32
    %min3A_115 = arith.constant 49999 : i32
    %min3A_116 = arith.minsi %sub3A_114, %min3A_115 : i32
    %broadcast_in_dim3A_117 = vector.broadcast %min3A_116 : i32 to vector<16xi32>
    %gather3A_118 = tpu.vector_load_idx %arg8[%broadcast_in_dim3A_117] : memref<50000xi32, #tpu.memory_space<vmem>>[vector<16xi32>], vector<16xi32>,
    %le3A_119 = arith.constant 50000 : i32
    %le3A_120 = arith.cmpi sle, %add3A_112, %le3A_119 : i32
    %reduce_max3A_121 = arith.constant true
    %reduce_max3A_122 = vector.broadcast %reduce_max3A_121 : i1 to vector<16xi1>
    %reduce_max3A_123 = arith.constant -2147483648 : i32
    %reduce_max3A_124 = vector.broadcast %reduce_max3A_123 : i32 to vector<16xi32>
    %reduce_max3A_125 = arith.xori %gather3A_118, %reduce_max3A_124 : vector<16xi32>
    %reduce_max3A_126 = tpu.scan <max>, %reduce_max3A_125 masked %reduce_max3A_122 : vector<16xi32>, vector<16xi1> -> vector<16xi32>
    %reduce_max3A_127 = arith.xori %reduce_max3A_126, %reduce_max3A_124 : vector<16xi32>
    %reduce_max3A_128 = vector.extract %reduce_max3A_127[15] : i32 from vector<16xi32>
    %lt3A_129 = arith.cmpi slt, %reduce_max3A_128, %mul3A_2 : i32
    %and3A_130 = arith.andi %le3A_120, %lt3A_129 : i1
    %add3A_131 = arith.constant 1024 : i32
    %add3A_132 = arith.addi %select_n3A_110, %add3A_131 : i32
    %select_n3A_133 = arith.select %and3A_130, %add3A_132, %select_n3A_110 : i32
    %add3A_134 = arith.constant 512 : i32
    %add3A_135 = arith.addi %select_n3A_133, %add3A_134 : i32
    %sub3A_136 = arith.constant 1 : i32
    %sub3A_137 = arith.subi %add3A_135, %sub3A_136 : i32
    %min3A_138 = arith.constant 49999 : i32
    %min3A_139 = arith.minsi %sub3A_137, %min3A_138 : i32
    %broadcast_in_dim3A_140 = vector.broadcast %min3A_139 : i32 to vector<16xi32>
    %gather3A_141 = tpu.vector_load_idx %arg8[%broadcast_in_dim3A_140] : memref<50000xi32, #tpu.memory_space<vmem>>[vector<16xi32>], vector<16xi32>,
    %le3A_142 = arith.constant 50000 : i32
    %le3A_143 = arith.cmpi sle, %add3A_135, %le3A_142 : i32
    %reduce_max3A_144 = arith.constant true
    %reduce_max3A_145 = vector.broadcast %reduce_max3A_144 : i1 to vector<16xi1>
    %reduce_max3A_146 = arith.constant -2147483648 : i32
    %reduce_max3A_147 = vector.broadcast %reduce_max3A_146 : i32 to vector<16xi32>
    %reduce_max3A_148 = arith.xori %gather3A_141, %reduce_max3A_147 : vector<16xi32>
    %reduce_max3A_149 = tpu.scan <max>, %reduce_max3A_148 masked %reduce_max3A_145 : vector<16xi32>, vector<16xi1> -> vector<16xi32>
    %reduce_max3A_150 = arith.xori %reduce_max3A_149, %reduce_max3A_147 : vector<16xi32>
    %reduce_max3A_151 = vector.extract %reduce_max3A_150[15] : i32 from vector<16xi32>
    %lt3A_152 = arith.cmpi slt, %reduce_max3A_151, %mul3A_2 : i32
    %and3A_153 = arith.andi %le3A_143, %lt3A_152 : i1
    %add3A_154 = arith.constant 512 : i32
    %add3A_155 = arith.addi %select_n3A_133, %add3A_154 : i32
    %select_n3A_156 = arith.select %and3A_153, %add3A_155, %select_n3A_133 : i32
    %add3A_157 = arith.constant 256 : i32
    %add3A_158 = arith.addi %select_n3A_156, %add3A_157 : i32
    %sub3A_159 = arith.constant 1 : i32
    %sub3A_160 = arith.subi %add3A_158, %sub3A_159 : i32
    %min3A_161 = arith.constant 49999 : i32
    %min3A_162 = arith.minsi %sub3A_160, %min3A_161 : i32
    %broadcast_in_dim3A_163 = vector.broadcast %min3A_162 : i32 to vector<16xi32>
    %gather3A_164 = tpu.vector_load_idx %arg8[%broadcast_in_dim3A_163] : memref<50000xi32, #tpu.memory_space<vmem>>[vector<16xi32>], vector<16xi32>,
    %le3A_165 = arith.constant 50000 : i32
    %le3A_166 = arith.cmpi sle, %add3A_158, %le3A_165 : i32
    %reduce_max3A_167 = arith.constant true
    %reduce_max3A_168 = vector.broadcast %reduce_max3A_167 : i1 to vector<16xi1>
    %reduce_max3A_169 = arith.constant -2147483648 : i32
    %reduce_max3A_170 = vector.broadcast %reduce_max3A_169 : i32 to vector<16xi32>
    %reduce_max3A_171 = arith.xori %gather3A_164, %reduce_max3A_170 : vector<16xi32>
    %reduce_max3A_172 = tpu.scan <max>, %reduce_max3A_171 masked %reduce_max3A_168 : vector<16xi32>, vector<16xi1> -> vector<16xi32>
    %reduce_max3A_173 = arith.xori %reduce_max3A_172, %reduce_max3A_170 : vector<16xi32>
    %reduce_max3A_174 = vector.extract %reduce_max3A_173[15] : i32 from vector<16xi32>
    %lt3A_175 = arith.cmpi slt, %reduce_max3A_174, %mul3A_2 : i32
    %and3A_176 = arith.andi %le3A_166, %lt3A_175 : i1
    %add3A_177 = arith.constant 256 : i32
    %add3A_178 = arith.addi %select_n3A_156, %add3A_177 : i32
    %select_n3A_179 = arith.select %and3A_176, %add3A_178, %select_n3A_156 : i32
    %add3A_180 = arith.constant 128 : i32
    %add3A_181 = arith.addi %select_n3A_179, %add3A_180 : i32
    %sub3A_182 = arith.constant 1 : i32
    %sub3A_183 = arith.subi %add3A_181, %sub3A_182 : i32
    %min3A_184 = arith.constant 49999 : i32
    %min3A_185 = arith.minsi %sub3A_183, %min3A_184 : i32
    %broadcast_in_dim3A_186 = vector.broadcast %min3A_185 : i32 to vector<16xi32>
    %gather3A_187 = tpu.vector_load_idx %arg8[%broadcast_in_dim3A_186] : memref<50000xi32, #tpu.memory_space<vmem>>[vector<16xi32>], vector<16xi32>,
    %le3A_188 = arith.constant 50000 : i32
    %le3A_189 = arith.cmpi sle, %add3A_181, %le3A_188 : i32
    %reduce_max3A_190 = arith.constant true
    %reduce_max3A_191 = vector.broadcast %reduce_max3A_190 : i1 to vector<16xi1>
    %reduce_max3A_192 = arith.constant -2147483648 : i32
    %reduce_max3A_193 = vector.broadcast %reduce_max3A_192 : i32 to vector<16xi32>
    %reduce_max3A_194 = arith.xori %gather3A_187, %reduce_max3A_193 : vector<16xi32>
    %reduce_max3A_195 = tpu.scan <max>, %reduce_max3A_194 masked %reduce_max3A_191 : vector<16xi32>, vector<16xi1> -> vector<16xi32>
    %reduce_max3A_196 = arith.xori %reduce_max3A_195, %reduce_max3A_193 : vector<16xi32>
    %reduce_max3A_197 = vector.extract %reduce_max3A_196[15] : i32 from vector<16xi32>
    %lt3A_198 = arith.cmpi slt, %reduce_max3A_197, %mul3A_2 : i32
    %and3A_199 = arith.andi %le3A_189, %lt3A_198 : i1
    %add3A_200 = arith.constant 128 : i32
    %add3A_201 = arith.addi %select_n3A_179, %add3A_200 : i32
    %select_n3A_202 = arith.select %and3A_199, %add3A_201, %select_n3A_179 : i32
    %add3A_203 = arith.constant 64 : i32
    %add3A_204 = arith.addi %select_n3A_202, %add3A_203 : i32
    %sub3A_205 = arith.constant 1 : i32
    %sub3A_206 = arith.subi %add3A_204, %sub3A_205 : i32
    %min3A_207 = arith.constant 49999 : i32
    %min3A_208 = arith.minsi %sub3A_206, %min3A_207 : i32
    %broadcast_in_dim3A_209 = vector.broadcast %min3A_208 : i32 to vector<16xi32>
    %gather3A_210 = tpu.vector_load_idx %arg8[%broadcast_in_dim3A_209] : memref<50000xi32, #tpu.memory_space<vmem>>[vector<16xi32>], vector<16xi32>,
    %le3A_211 = arith.constant 50000 : i32
    %le3A_212 = arith.cmpi sle, %add3A_204, %le3A_211 : i32
    %reduce_max3A_213 = arith.constant true
    %reduce_max3A_214 = vector.broadcast %reduce_max3A_213 : i1 to vector<16xi1>
    %reduce_max3A_215 = arith.constant -2147483648 : i32
    %reduce_max3A_216 = vector.broadcast %reduce_max3A_215 : i32 to vector<16xi32>
    %reduce_max3A_217 = arith.xori %gather3A_210, %reduce_max3A_216 : vector<16xi32>
    %reduce_max3A_218 = tpu.scan <max>, %reduce_max3A_217 masked %reduce_max3A_214 : vector<16xi32>, vector<16xi1> -> vector<16xi32>
    %reduce_max3A_219 = arith.xori %reduce_max3A_218, %reduce_max3A_216 : vector<16xi32>
    %reduce_max3A_220 = vector.extract %reduce_max3A_219[15] : i32 from vector<16xi32>
    %lt3A_221 = arith.cmpi slt, %reduce_max3A_220, %mul3A_2 : i32
    %and3A_222 = arith.andi %le3A_212, %lt3A_221 : i1
    %add3A_223 = arith.constant 64 : i32
    %add3A_224 = arith.addi %select_n3A_202, %add3A_223 : i32
    %select_n3A_225 = arith.select %and3A_222, %add3A_224, %select_n3A_202 : i32
    %add3A_226 = arith.constant 32 : i32
    %add3A_227 = arith.addi %select_n3A_225, %add3A_226 : i32
    %sub3A_228 = arith.constant 1 : i32
    %sub3A_229 = arith.subi %add3A_227, %sub3A_228 : i32
    %min3A_230 = arith.constant 49999 : i32
    %min3A_231 = arith.minsi %sub3A_229, %min3A_230 : i32
    %broadcast_in_dim3A_232 = vector.broadcast %min3A_231 : i32 to vector<16xi32>
    %gather3A_233 = tpu.vector_load_idx %arg8[%broadcast_in_dim3A_232] : memref<50000xi32, #tpu.memory_space<vmem>>[vector<16xi32>], vector<16xi32>,
    %le3A_234 = arith.constant 50000 : i32
    %le3A_235 = arith.cmpi sle, %add3A_227, %le3A_234 : i32
    %reduce_max3A_236 = arith.constant true
    %reduce_max3A_237 = vector.broadcast %reduce_max3A_236 : i1 to vector<16xi1>
    %reduce_max3A_238 = arith.constant -2147483648 : i32
    %reduce_max3A_239 = vector.broadcast %reduce_max3A_238 : i32 to vector<16xi32>
    %reduce_max3A_240 = arith.xori %gather3A_233, %reduce_max3A_239 : vector<16xi32>
    %reduce_max3A_241 = tpu.scan <max>, %reduce_max3A_240 masked %reduce_max3A_237 : vector<16xi32>, vector<16xi1> -> vector<16xi32>
    %reduce_max3A_242 = arith.xori %reduce_max3A_241, %reduce_max3A_239 : vector<16xi32>
    %reduce_max3A_243 = vector.extract %reduce_max3A_242[15] : i32 from vector<16xi32>
    %lt3A_244 = arith.cmpi slt, %reduce_max3A_243, %mul3A_2 : i32
    %and3A_245 = arith.andi %le3A_235, %lt3A_244 : i1
    %add3A_246 = arith.constant 32 : i32
    %add3A_247 = arith.addi %select_n3A_225, %add3A_246 : i32
    %select_n3A_248 = arith.select %and3A_245, %add3A_247, %select_n3A_225 : i32
    %add3A_249 = arith.constant 16 : i32
    %add3A_250 = arith.addi %select_n3A_248, %add3A_249 : i32
    %sub3A_251 = arith.constant 1 : i32
    %sub3A_252 = arith.subi %add3A_250, %sub3A_251 : i32
    %min3A_253 = arith.constant 49999 : i32
    %min3A_254 = arith.minsi %sub3A_252, %min3A_253 : i32
    %broadcast_in_dim3A_255 = vector.broadcast %min3A_254 : i32 to vector<16xi32>
    %gather3A_256 = tpu.vector_load_idx %arg8[%broadcast_in_dim3A_255] : memref<50000xi32, #tpu.memory_space<vmem>>[vector<16xi32>], vector<16xi32>,
    %le3A_257 = arith.constant 50000 : i32
    %le3A_258 = arith.cmpi sle, %add3A_250, %le3A_257 : i32
    %reduce_max3A_259 = arith.constant true
    %reduce_max3A_260 = vector.broadcast %reduce_max3A_259 : i1 to vector<16xi1>
    %reduce_max3A_261 = arith.constant -2147483648 : i32
    %reduce_max3A_262 = vector.broadcast %reduce_max3A_261 : i32 to vector<16xi32>
    %reduce_max3A_263 = arith.xori %gather3A_256, %reduce_max3A_262 : vector<16xi32>
    %reduce_max3A_264 = tpu.scan <max>, %reduce_max3A_263 masked %reduce_max3A_260 : vector<16xi32>, vector<16xi1> -> vector<16xi32>
    %reduce_max3A_265 = arith.xori %reduce_max3A_264, %reduce_max3A_262 : vector<16xi32>
    %reduce_max3A_266 = vector.extract %reduce_max3A_265[15] : i32 from vector<16xi32>
    %lt3A_267 = arith.cmpi slt, %reduce_max3A_266, %mul3A_2 : i32
    %and3A_268 = arith.andi %le3A_258, %lt3A_267 : i1
    %add3A_269 = arith.constant 16 : i32
    %add3A_270 = arith.addi %select_n3A_248, %add3A_269 : i32
    %select_n3A_271 = arith.select %and3A_268, %add3A_270, %select_n3A_248 : i32
    %add3A_272 = arith.constant 8 : i32
    %add3A_273 = arith.addi %select_n3A_271, %add3A_272 : i32
    %sub3A_274 = arith.constant 1 : i32
    %sub3A_275 = arith.subi %add3A_273, %sub3A_274 : i32
    %min3A_276 = arith.constant 49999 : i32
    %min3A_277 = arith.minsi %sub3A_275, %min3A_276 : i32
    %broadcast_in_dim3A_278 = vector.broadcast %min3A_277 : i32 to vector<16xi32>
    %gather3A_279 = tpu.vector_load_idx %arg8[%broadcast_in_dim3A_278] : memref<50000xi32, #tpu.memory_space<vmem>>[vector<16xi32>], vector<16xi32>,
    %le3A_280 = arith.constant 50000 : i32
    %le3A_281 = arith.cmpi sle, %add3A_273, %le3A_280 : i32
    %reduce_max3A_282 = arith.constant true
    %reduce_max3A_283 = vector.broadcast %reduce_max3A_282 : i1 to vector<16xi1>
    %reduce_max3A_284 = arith.constant -2147483648 : i32
    %reduce_max3A_285 = vector.broadcast %reduce_max3A_284 : i32 to vector<16xi32>
    %reduce_max3A_286 = arith.xori %gather3A_279, %reduce_max3A_285 : vector<16xi32>
    %reduce_max3A_287 = tpu.scan <max>, %reduce_max3A_286 masked %reduce_max3A_283 : vector<16xi32>, vector<16xi1> -> vector<16xi32>
    %reduce_max3A_288 = arith.xori %reduce_max3A_287, %reduce_max3A_285 : vector<16xi32>
    %reduce_max3A_289 = vector.extract %reduce_max3A_288[15] : i32 from vector<16xi32>
    %lt3A_290 = arith.cmpi slt, %reduce_max3A_289, %mul3A_2 : i32
    %and3A_291 = arith.andi %le3A_281, %lt3A_290 : i1
    %add3A_292 = arith.constant 8 : i32
    %add3A_293 = arith.addi %select_n3A_271, %add3A_292 : i32
    %select_n3A_294 = arith.select %and3A_291, %add3A_293, %select_n3A_271 : i32
    %add3A_295 = arith.constant 4 : i32
    %add3A_296 = arith.addi %select_n3A_294, %add3A_295 : i32
    %sub3A_297 = arith.constant 1 : i32
    %sub3A_298 = arith.subi %add3A_296, %sub3A_297 : i32
    %min3A_299 = arith.constant 49999 : i32
    %min3A_300 = arith.minsi %sub3A_298, %min3A_299 : i32
    %broadcast_in_dim3A_301 = vector.broadcast %min3A_300 : i32 to vector<16xi32>
    %gather3A_302 = tpu.vector_load_idx %arg8[%broadcast_in_dim3A_301] : memref<50000xi32, #tpu.memory_space<vmem>>[vector<16xi32>], vector<16xi32>,
    %le3A_303 = arith.constant 50000 : i32
    %le3A_304 = arith.cmpi sle, %add3A_296, %le3A_303 : i32
    %reduce_max3A_305 = arith.constant true
    %reduce_max3A_306 = vector.broadcast %reduce_max3A_305 : i1 to vector<16xi1>
    %reduce_max3A_307 = arith.constant -2147483648 : i32
    %reduce_max3A_308 = vector.broadcast %reduce_max3A_307 : i32 to vector<16xi32>
    %reduce_max3A_309 = arith.xori %gather3A_302, %reduce_max3A_308 : vector<16xi32>
    %reduce_max3A_310 = tpu.scan <max>, %reduce_max3A_309 masked %reduce_max3A_306 : vector<16xi32>, vector<16xi1> -> vector<16xi32>
    %reduce_max3A_311 = arith.xori %reduce_max3A_310, %reduce_max3A_308 : vector<16xi32>
    %reduce_max3A_312 = vector.extract %reduce_max3A_311[15] : i32 from vector<16xi32>
    %lt3A_313 = arith.cmpi slt, %reduce_max3A_312, %mul3A_2 : i32
    %and3A_314 = arith.andi %le3A_304, %lt3A_313 : i1
    %add3A_315 = arith.constant 4 : i32
    %add3A_316 = arith.addi %select_n3A_294, %add3A_315 : i32
    %select_n3A_317 = arith.select %and3A_314, %add3A_316, %select_n3A_294 : i32
    %add3A_318 = arith.constant 2 : i32
    %add3A_319 = arith.addi %select_n3A_317, %add3A_318 : i32
    %sub3A_320 = arith.constant 1 : i32
    %sub3A_321 = arith.subi %add3A_319, %sub3A_320 : i32
    %min3A_322 = arith.constant 49999 : i32
    %min3A_323 = arith.minsi %sub3A_321, %min3A_322 : i32
    %broadcast_in_dim3A_324 = vector.broadcast %min3A_323 : i32 to vector<16xi32>
    %gather3A_325 = tpu.vector_load_idx %arg8[%broadcast_in_dim3A_324] : memref<50000xi32, #tpu.memory_space<vmem>>[vector<16xi32>], vector<16xi32>,
    %le3A_326 = arith.constant 50000 : i32
    %le3A_327 = arith.cmpi sle, %add3A_319, %le3A_326 : i32
    %reduce_max3A_328 = arith.constant true
    %reduce_max3A_329 = vector.broadcast %reduce_max3A_328 : i1 to vector<16xi1>
    %reduce_max3A_330 = arith.constant -2147483648 : i32
    %reduce_max3A_331 = vector.broadcast %reduce_max3A_330 : i32 to vector<16xi32>
    %reduce_max3A_332 = arith.xori %gather3A_325, %reduce_max3A_331 : vector<16xi32>
    %reduce_max3A_333 = tpu.scan <max>, %reduce_max3A_332 masked %reduce_max3A_329 : vector<16xi32>, vector<16xi1> -> vector<16xi32>
    %reduce_max3A_334 = arith.xori %reduce_max3A_333, %reduce_max3A_331 : vector<16xi32>
    %reduce_max3A_335 = vector.extract %reduce_max3A_334[15] : i32 from vector<16xi32>
    %lt3A_336 = arith.cmpi slt, %reduce_max3A_335, %mul3A_2 : i32
    %and3A_337 = arith.andi %le3A_327, %lt3A_336 : i1
    %add3A_338 = arith.constant 2 : i32
    %add3A_339 = arith.addi %select_n3A_317, %add3A_338 : i32
    %select_n3A_340 = arith.select %and3A_337, %add3A_339, %select_n3A_317 : i32
    %add3A_341 = arith.constant 1 : i32
    %add3A_342 = arith.addi %select_n3A_340, %add3A_341 : i32
    %sub3A_343 = arith.constant 1 : i32
    %sub3A_344 = arith.subi %add3A_342, %sub3A_343 : i32
    %min3A_345 = arith.constant 49999 : i32
    %min3A_346 = arith.minsi %sub3A_344, %min3A_345 : i32
    %broadcast_in_dim3A_347 = vector.broadcast %min3A_346 : i32 to vector<16xi32>
    %gather3A_348 = tpu.vector_load_idx %arg8[%broadcast_in_dim3A_347] : memref<50000xi32, #tpu.memory_space<vmem>>[vector<16xi32>], vector<16xi32>,
    %le3A_349 = arith.constant 50000 : i32
    %le3A_350 = arith.cmpi sle, %add3A_342, %le3A_349 : i32
    %reduce_max3A_351 = arith.constant true
    %reduce_max3A_352 = vector.broadcast %reduce_max3A_351 : i1 to vector<16xi1>
    %reduce_max3A_353 = arith.constant -2147483648 : i32
    %reduce_max3A_354 = vector.broadcast %reduce_max3A_353 : i32 to vector<16xi32>
    %reduce_max3A_355 = arith.xori %gather3A_348, %reduce_max3A_354 : vector<16xi32>
    %reduce_max3A_356 = tpu.scan <max>, %reduce_max3A_355 masked %reduce_max3A_352 : vector<16xi32>, vector<16xi1> -> vector<16xi32>
    %reduce_max3A_357 = arith.xori %reduce_max3A_356, %reduce_max3A_354 : vector<16xi32>
    %reduce_max3A_358 = vector.extract %reduce_max3A_357[15] : i32 from vector<16xi32>
    %lt3A_359 = arith.cmpi slt, %reduce_max3A_358, %mul3A_2 : i32
    %and3A_360 = arith.andi %le3A_350, %lt3A_359 : i1
    %add3A_361 = arith.constant 1 : i32
    %add3A_362 = arith.addi %select_n3A_340, %add3A_361 : i32
    %select_n3A_363 = arith.select %and3A_360, %add3A_362, %select_n3A_340 : i32
    %scan3A = arith.constant 0 : i32
    %scan3A_364 = arith.constant 32 : i32
    %scan3A_365 = arith.addi %scan3A, %scan3A_364 : i32
    %scan3A_366 = arith.constant 1 : i32
    %scan3A_367 = scf.for %scan3A_369 = %scan3A to %scan3A_365 step %scan3A_366 iter_args(%scan3A_370 = %select_n3A_363) -> (i32)  : i32 {
      %add3A_371 = arith.addi %mul3A_2, %scan3A_369 : i32
      %broadcast_in_dim3A_372 = vector.broadcast %add3A_371 : i32 to vector<16xi32>
      %gather3A_373 = tpu.vector_load_idx %arg10[%broadcast_in_dim3A_372] : memref<1024xf32, #tpu.memory_space<vmem>>[vector<16xi32>], vector<16xf32>,
      %broadcast_in_dim3A_374 = arith.constant 0.000000e+00 : f32
      %broadcast_in_dim3A_375 = vector.broadcast %broadcast_in_dim3A_374 : f32 to vector<16xf32>
      %while3A = arith.constant true
      %while3A_376:35 = scf.while (%while3A_475 = %while3A, %while3A_476 = %scan3A_370, %while3A_477 = %broadcast_in_dim3A_375, %while3A_478 = %broadcast_in_dim3A_375, %while3A_479 = %broadcast_in_dim3A_375, %while3A_480 = %broadcast_in_dim3A_375, %while3A_481 = %broadcast_in_dim3A_375, %while3A_482 = %broadcast_in_dim3A_375, %while3A_483 = %broadcast_in_dim3A_375, %while3A_484 = %broadcast_in_dim3A_375, %while3A_485 = %broadcast_in_dim3A_375, %while3A_486 = %broadcast_in_dim3A_375, %while3A_487 = %broadcast_in_dim3A_375, %while3A_488 = %broadcast_in_dim3A_375, %while3A_489 = %broadcast_in_dim3A_375, %while3A_490 = %broadcast_in_dim3A_375, %while3A_491 = %broadcast_in_dim3A_375, %while3A_492 = %broadcast_in_dim3A_375, %while3A_493 = %broadcast_in_dim3A_375, %while3A_494 = %broadcast_in_dim3A_375, %while3A_495 = %broadcast_in_dim3A_375, %while3A_496 = %broadcast_in_dim3A_375, %while3A_497 = %broadcast_in_dim3A_375, %while3A_498 = %broadcast_in_dim3A_375, %while3A_499 = %broadcast_in_dim3A_375, %while3A_500 = %broadcast_in_dim3A_375, %while3A_501 = %broadcast_in_dim3A_375, %while3A_502 = %broadcast_in_dim3A_375, %while3A_503 = %broadcast_in_dim3A_375, %while3A_504 = %broadcast_in_dim3A_375, %while3A_505 = %broadcast_in_dim3A_375, %while3A_506 = %broadcast_in_dim3A_375, %while3A_507 = %broadcast_in_dim3A_375, %while3A_508 = %broadcast_in_dim3A_375, %while3A_509 = %broadcast_in_dim3A_375) : (i1, i32, vector<16xf32>, vector<16xf32>, vector<16xf32>, vector<16xf32>, vector<16xf32>, vector<16xf32>, vector<16xf32>, vector<16xf32>, vector<16xf32>, vector<16xf32>, vector<16xf32>, vector<16xf32>, vector<16xf32>, vector<16xf32>, vector<16xf32>, vector<16xf32>, vector<16xf32>, vector<16xf32>, vector<16xf32>, vector<16xf32>, vector<16xf32>, vector<16xf32>, vector<16xf32>, vector<16xf32>, vector<16xf32>, vector<16xf32>, vector<16xf32>, vector<16xf32>, vector<16xf32>, vector<16xf32>, vector<16xf32>, vector<16xf32>, vector<16xf32>) -> (i1, i32, vector<16xf32>, vector<16xf32>, vector<16xf32>, vector<16xf32>, vector<16xf32>, vector<16xf32>, vector<16xf32>, vector<16xf32>, vector<16xf32>, vector<16xf32>, vector<16xf32>, vector<16xf32>, vector<16xf32>, vector<16xf32>, vector<16xf32>, vector<16xf32>, vector<16xf32>, vector<16xf32>, vector<16xf32>, vector<16xf32>, vector<16xf32>, vector<16xf32>, vector<16xf32>, vector<16xf32>, vector<16xf32>, vector<16xf32>, vector<16xf32>, vector<16xf32>, vector<16xf32>, vector<16xf32>, vector<16xf32>, vector<16xf32>, vector<16xf32>) {
        scf.condition(%while3A_475) %while3A_475, %while3A_476, %while3A_477, %while3A_478, %while3A_479, %while3A_480, %while3A_481, %while3A_482, %while3A_483, %while3A_484, %while3A_485, %while3A_486, %while3A_487, %while3A_488, %while3A_489, %while3A_490, %while3A_491, %while3A_492, %while3A_493, %while3A_494, %while3A_495, %while3A_496, %while3A_497, %while3A_498, %while3A_499, %while3A_500, %while3A_501, %while3A_502, %while3A_503, %while3A_504, %while3A_505, %while3A_506, %while3A_507, %while3A_508, %while3A_509 : i1, i32, vector<16xf32>, vector<16xf32>, vector<16xf32>, vector<16xf32>, vector<16xf32>, vector<16xf32>, vector<16xf32>, vector<16xf32>, vector<16xf32>, vector<16xf32>, vector<16xf32>, vector<16xf32>, vector<16xf32>, vector<16xf32>, vector<16xf32>, vector<16xf32>, vector<16xf32>, vector<16xf32>, vector<16xf32>, vector<16xf32>, vector<16xf32>, vector<16xf32>, vector<16xf32>, vector<16xf32>, vector<16xf32>, vector<16xf32>, vector<16xf32>, vector<16xf32>, vector<16xf32>, vector<16xf32>, vector<16xf32>, vector<16xf32>, vector<16xf32>
      } do {
      ^bb0(%while3A_475: i1, %while3A_476: i32, %while3A_477: vector<16xf32>, %while3A_478: vector<16xf32>, %while3A_479: vector<16xf32>, %while3A_480: vector<16xf32>, %while3A_481: vector<16xf32>, %while3A_482: vector<16xf32>, %while3A_483: vector<16xf32>, %while3A_484: vector<16xf32>, %while3A_485: vector<16xf32>, %while3A_486: vector<16xf32>, %while3A_487: vector<16xf32>, %while3A_488: vector<16xf32>, %while3A_489: vector<16xf32>, %while3A_490: vector<16xf32>, %while3A_491: vector<16xf32>, %while3A_492: vector<16xf32>, %while3A_493: vector<16xf32>, %while3A_494: vector<16xf32>, %while3A_495: vector<16xf32>, %while3A_496: vector<16xf32>, %while3A_497: vector<16xf32>, %while3A_498: vector<16xf32>, %while3A_499: vector<16xf32>, %while3A_500: vector<16xf32>, %while3A_501: vector<16xf32>, %while3A_502: vector<16xf32>, %while3A_503: vector<16xf32>, %while3A_504: vector<16xf32>, %while3A_505: vector<16xf32>, %while3A_506: vector<16xf32>, %while3A_507: vector<16xf32>, %while3A_508: vector<16xf32>, %while3A_509: vector<16xf32>):
        %jit3A_510 = arith.constant 8 : i32
        %div3A = arith.divsi %while3A_476, %jit3A_510 : i32
        %sign3A = arith.constant 0 : i32
        %sign3A_511 = arith.cmpi sgt, %while3A_476, %sign3A : i32
        %sign3A_512 = arith.extui %sign3A_511 : i1 to i32
        %sign3A_513 = arith.constant 0 : i32
        %sign3A_514 = arith.cmpi slt, %while3A_476, %sign3A_513 : i32
        %sign3A_515 = arith.extui %sign3A_514 : i1 to i32
        %sign3A_516 = arith.subi %sign3A_512, %sign3A_515 : i32
        %sign3A_517 = arith.constant 0 : i32
        %sign3A_518 = arith.cmpi sgt, %jit3A_510, %sign3A_517 : i32
        %sign3A_519 = arith.extui %sign3A_518 : i1 to i32
        %sign3A_520 = arith.constant 0 : i32
        %sign3A_521 = arith.cmpi slt, %jit3A_510, %sign3A_520 : i32
        %sign3A_522 = arith.extui %sign3A_521 : i1 to i32
        %sign3A_523 = arith.subi %sign3A_519, %sign3A_522 : i32
        %ne3A = arith.cmpi ne, %sign3A_516, %sign3A_523 : i32
        %rem3A = arith.remsi %while3A_476, %jit3A_510 : i32
        %ne3A_524 = arith.constant 0 : i32
        %ne3A_525 = arith.cmpi ne, %rem3A, %ne3A_524 : i32
        %and3A_526 = arith.andi %ne3A, %ne3A_525 : i1
        %sub3A_527 = arith.constant 1 : i32
        %sub3A_528 = arith.subi %div3A, %sub3A_527 : i32
        %select_n3A_529 = arith.select %and3A_526, %sub3A_528, %div3A : i32
        %mul3A_530 = arith.constant 8 : i32
        %mul3A_531 = arith.muli %select_n3A_529, %mul3A_530 : i32
        %min3A_532 = arith.constant 49904 : i32
        %min3A_533 = arith.minsi %mul3A_531, %min3A_532 : i32
        "tpu.region"() ({
          %run_scoped3A = tpu.sem_alloc : memref<!tpu.dma_semaphore, #tpu.memory_space<semaphore_mem>>
          %dma_start3A = arith.constant 0 : i32
          %dma_start3A_768 = tpu.memref_slice %arg2[%min3A_533, %dma_start3A] : memref<50000x512xf32, #tpu.memory_space<hbm>> -> memref<96x512xf32, #tpu.memory_space<hbm>>
          %dma_start3A_769 = arith.constant 0 : i32
          %dma_start3A_770 = tpu.memref_slice %arg2[%min3A_533, %dma_start3A_769] : memref<50000x512xf32, #tpu.memory_space<hbm>> -> memref<96x512xf32, #tpu.memory_space<hbm>>
          tpu.enqueue_dma source(%dma_start3A_770 : memref<96x512xf32, #tpu.memory_space<hbm>>) target(%arg11 : memref<96x512xf32, #tpu.memory_space<vmem>>) target_semaphore(%run_scoped3A : memref<!tpu.dma_semaphore, #tpu.memory_space<semaphore_mem>>)
          %dma_wait3A = arith.constant 0 : i32
          %dma_wait3A_771 = tpu.memref_slice %arg2[%min3A_533, %dma_wait3A] : memref<50000x512xf32, #tpu.memory_space<hbm>> -> memref<96x512xf32, #tpu.memory_space<hbm>>
          %dma_wait3A_772 = arith.constant 0 : i32
          %dma_wait3A_773 = tpu.memref_slice %arg2[%min3A_533, %dma_wait3A_772] : memref<50000x512xf32, #tpu.memory_space<hbm>> -> memref<96x512xf32, #tpu.memory_space<hbm>>
          tpu.wait_dma2 semaphore(%run_scoped3A : memref<!tpu.dma_semaphore, #tpu.memory_space<semaphore_mem>>) src(%dma_wait3A_773 : memref<96x512xf32, #tpu.memory_space<hbm>>) dst(%arg11 : memref<96x512xf32, #tpu.memory_space<vmem>>)
          tpu.yield
        }) : () -> ()
        "tpu.region"() ({
          %run_scoped3A = tpu.sem_alloc : memref<!tpu.dma_semaphore, #tpu.memory_space<semaphore_mem>>
          %dma_start3A = tpu.memref_slice %arg4[%min3A_533] : memref<50000xf32, #tpu.memory_space<hbm>> -> memref<96xf32, #tpu.memory_space<hbm>>
          %dma_start3A_768 = tpu.memref_slice %arg4[%min3A_533] : memref<50000xf32, #tpu.memory_space<hbm>> -> memref<96xf32, #tpu.memory_space<hbm>>
          tpu.enqueue_dma source(%dma_start3A_768 : memref<96xf32, #tpu.memory_space<hbm>>) target(%arg9 : memref<96xf32, #tpu.memory_space<vmem>>) target_semaphore(%run_scoped3A : memref<!tpu.dma_semaphore, #tpu.memory_space<semaphore_mem>>)
          %dma_wait3A = tpu.memref_slice %arg4[%min3A_533] : memref<50000xf32, #tpu.memory_space<hbm>> -> memref<96xf32, #tpu.memory_space<hbm>>
          %dma_wait3A_769 = tpu.memref_slice %arg4[%min3A_533] : memref<50000xf32, #tpu.memory_space<hbm>> -> memref<96xf32, #tpu.memory_space<hbm>>
          tpu.wait_dma2 semaphore(%run_scoped3A : memref<!tpu.dma_semaphore, #tpu.memory_space<semaphore_mem>>) src(%dma_wait3A_769 : memref<96xf32, #tpu.memory_space<hbm>>) dst(%arg9 : memref<96xf32, #tpu.memory_space<vmem>>)
          tpu.yield
        }) : () -> ()
        %broadcast_in_dim3A_534 = arith.constant 0.000000e+00 : f32
        %broadcast_in_dim3A_535 = vector.broadcast %broadcast_in_dim3A_534 : f32 to vector<16xf32>
        %add3A_536 = arith.constant 0 : i32
        %add3A_537 = arith.addi %min3A_533, %add3A_536 : i32
        %add3A_538 = vector.broadcast %add3A_537 : i32 to vector<16xi32>
        %add3A_539 = arith.addi %add3A_538, %iota3A : vector<16xi32>
        %gather3A_540 = tpu.vector_load_idx %arg8[%add3A_539] : memref<50000xi32, #tpu.memory_space<vmem>>[vector<16xi32>], vector<16xi32>,
        %get3A = arith.constant 0 : index
        %get3A_541 = tpu.vector_load %arg9[%get3A] {strides = array<i32>} : memref<96xf32, #tpu.memory_space<vmem>>, vector<16xf32>,
        %eq3A = vector.broadcast %add3A_371 : i32 to vector<16xi32>
        %eq3A_542 = arith.cmpi eq, %gather3A_540, %eq3A : vector<16xi32>
        %ge3A = vector.broadcast %while3A_476 : i32 to vector<16xi32>
        %ge3A_543 = arith.cmpi sge, %add3A_539, %ge3A : vector<16xi32>
        %and3A_544 = arith.andi %eq3A_542, %ge3A_543 : vector<16xi1>
        %add3A_545 = arith.addf %gather3A_373, %get3A_541 : vector<16xf32>
        %ge3A_546 = arith.constant 0.000000e+00 : f32
        %ge3A_547 = vector.broadcast %ge3A_546 : f32 to vector<16xf32>
        %ge3A_548 = arith.cmpf oge, %add3A_545, %ge3A_547 : vector<16xf32>
        %mul3A_549 = arith.constant 0.00999999977 : f32
        %mul3A_550 = vector.broadcast %mul3A_549 : f32 to vector<16xf32>
        %mul3A_551 = arith.mulf %mul3A_550, %add3A_545 : vector<16xf32>
        %select_n3A_552 = arith.select %ge3A_548, %add3A_545, %mul3A_551 : vector<16xi1>, vector<16xf32>
        %exp3A = math.exp %select_n3A_552 : vector<16xf32>
        %jit3A_553 = arith.constant 0.000000e+00 : f32
        %broadcast_in_dim3A_554 = vector.broadcast %jit3A_553 : f32 to vector<16xf32>
        %select_n3A_555 = arith.select %and3A_544, %exp3A, %broadcast_in_dim3A_554 : vector<16xi1>, vector<16xf32>
        %swap3A_556 = arith.constant 0 : index
        %swap3A_557 = tpu.vector_load %arg12[%swap3A_556] {strides = array<i32>} : memref<96xf32, #tpu.memory_space<vmem>>, vector<16xf32>,
        tpu.vector_store %arg12[%swap3A_556], %select_n3A_555 {strides = array<i32>} : memref<96xf32, #tpu.memory_space<vmem>>, vector<16xf32>,
        %add3A_558 = arith.addf %broadcast_in_dim3A_535, %select_n3A_555 : vector<16xf32>
        %jit3A_559 = arith.constant 1 : i32
        %jit3A_560 = arith.constant 0 : i32
        %broadcast_in_dim3A_561 = vector.broadcast %jit3A_559 : i32 to vector<16xi32>
        %broadcast_in_dim3A_562 = vector.broadcast %jit3A_560 : i32 to vector<16xi32>
        %select_n3A_563 = arith.select %and3A_544, %broadcast_in_dim3A_561, %broadcast_in_dim3A_562 : vector<16xi1>, vector<16xi32>
        %reduce_sum3A = arith.constant true
        %reduce_sum3A_564 = vector.broadcast %reduce_sum3A : i1 to vector<16xi1>
        %reduce_sum3A_565 = tpu.scan <sum>, %select_n3A_563 masked %reduce_sum3A_564 : vector<16xi32>, vector<16xi1> -> vector<16xi32>
        %reduce_sum3A_566 = vector.extract %reduce_sum3A_565[15] : i32 from vector<16xi32>
        %add3A_567 = arith.constant 0 : i32
        %add3A_568 = arith.addi %add3A_567, %reduce_sum3A_566 : i32
        %add3A_569 = arith.constant 16 : i32
        %add3A_570 = arith.addi %min3A_533, %add3A_569 : i32
        %add3A_571 = vector.broadcast %add3A_570 : i32 to vector<16xi32>
        %add3A_572 = arith.addi %add3A_571, %iota3A : vector<16xi32>
        %gather3A_573 = tpu.vector_load_idx %arg8[%add3A_572] : memref<50000xi32, #tpu.memory_space<vmem>>[vector<16xi32>], vector<16xi32>,
        %get3A_574 = arith.constant 16 : index
        %get3A_575 = tpu.vector_load %arg9[%get3A_574] {strides = array<i32>} : memref<96xf32, #tpu.memory_space<vmem>>, vector<16xf32>,
        %eq3A_576 = vector.broadcast %add3A_371 : i32 to vector<16xi32>
        %eq3A_577 = arith.cmpi eq, %gather3A_573, %eq3A_576 : vector<16xi32>
        %ge3A_578 = vector.broadcast %while3A_476 : i32 to vector<16xi32>
        %ge3A_579 = arith.cmpi sge, %add3A_572, %ge3A_578 : vector<16xi32>
        %and3A_580 = arith.andi %eq3A_577, %ge3A_579 : vector<16xi1>
        %add3A_581 = arith.addf %gather3A_373, %get3A_575 : vector<16xf32>
        %ge3A_582 = arith.constant 0.000000e+00 : f32
        %ge3A_583 = vector.broadcast %ge3A_582 : f32 to vector<16xf32>
        %ge3A_584 = arith.cmpf oge, %add3A_581, %ge3A_583 : vector<16xf32>
        %mul3A_585 = arith.constant 0.00999999977 : f32
        %mul3A_586 = vector.broadcast %mul3A_585 : f32 to vector<16xf32>
        %mul3A_587 = arith.mulf %mul3A_586, %add3A_581 : vector<16xf32>
        %select_n3A_588 = arith.select %ge3A_584, %add3A_581, %mul3A_587 : vector<16xi1>, vector<16xf32>
        %exp3A_589 = math.exp %select_n3A_588 : vector<16xf32>
        %jit3A_590 = arith.constant 0.000000e+00 : f32
        %broadcast_in_dim3A_591 = vector.broadcast %jit3A_590 : f32 to vector<16xf32>
        %select_n3A_592 = arith.select %and3A_580, %exp3A_589, %broadcast_in_dim3A_591 : vector<16xi1>, vector<16xf32>
        %swap3A_593 = arith.constant 16 : index
        %swap3A_594 = tpu.vector_load %arg12[%swap3A_593] {strides = array<i32>} : memref<96xf32, #tpu.memory_space<vmem>>, vector<16xf32>,
        tpu.vector_store %arg12[%swap3A_593], %select_n3A_592 {strides = array<i32>} : memref<96xf32, #tpu.memory_space<vmem>>, vector<16xf32>,
        %add3A_595 = arith.addf %add3A_558, %select_n3A_592 : vector<16xf32>
        %jit3A_596 = arith.constant 1 : i32
        %jit3A_597 = arith.constant 0 : i32
        %broadcast_in_dim3A_598 = vector.broadcast %jit3A_596 : i32 to vector<16xi32>
        %broadcast_in_dim3A_599 = vector.broadcast %jit3A_597 : i32 to vector<16xi32>
        %select_n3A_600 = arith.select %and3A_580, %broadcast_in_dim3A_598, %broadcast_in_dim3A_599 : vector<16xi1>, vector<16xi32>
        %reduce_sum3A_601 = arith.constant true
        %reduce_sum3A_602 = vector.broadcast %reduce_sum3A_601 : i1 to vector<16xi1>
        %reduce_sum3A_603 = tpu.scan <sum>, %select_n3A_600 masked %reduce_sum3A_602 : vector<16xi32>, vector<16xi1> -> vector<16xi32>
        %reduce_sum3A_604 = vector.extract %reduce_sum3A_603[15] : i32 from vector<16xi32>
        %add3A_605 = arith.addi %add3A_568, %reduce_sum3A_604 : i32
        %add3A_606 = arith.constant 32 : i32
        %add3A_607 = arith.addi %min3A_533, %add3A_606 : i32
        %add3A_608 = vector.broadcast %add3A_607 : i32 to vector<16xi32>
        %add3A_609 = arith.addi %add3A_608, %iota3A : vector<16xi32>
        %gather3A_610 = tpu.vector_load_idx %arg8[%add3A_609] : memref<50000xi32, #tpu.memory_space<vmem>>[vector<16xi32>], vector<16xi32>,
        %get3A_611 = arith.constant 32 : index
        %get3A_612 = tpu.vector_load %arg9[%get3A_611] {strides = array<i32>} : memref<96xf32, #tpu.memory_space<vmem>>, vector<16xf32>,
        %eq3A_613 = vector.broadcast %add3A_371 : i32 to vector<16xi32>
        %eq3A_614 = arith.cmpi eq, %gather3A_610, %eq3A_613 : vector<16xi32>
        %ge3A_615 = vector.broadcast %while3A_476 : i32 to vector<16xi32>
        %ge3A_616 = arith.cmpi sge, %add3A_609, %ge3A_615 : vector<16xi32>
        %and3A_617 = arith.andi %eq3A_614, %ge3A_616 : vector<16xi1>
        %add3A_618 = arith.addf %gather3A_373, %get3A_612 : vector<16xf32>
        %ge3A_619 = arith.constant 0.000000e+00 : f32
        %ge3A_620 = vector.broadcast %ge3A_619 : f32 to vector<16xf32>
        %ge3A_621 = arith.cmpf oge, %add3A_618, %ge3A_620 : vector<16xf32>
        %mul3A_622 = arith.constant 0.00999999977 : f32
        %mul3A_623 = vector.broadcast %mul3A_622 : f32 to vector<16xf32>
        %mul3A_624 = arith.mulf %mul3A_623, %add3A_618 : vector<16xf32>
        %select_n3A_625 = arith.select %ge3A_621, %add3A_618, %mul3A_624 : vector<16xi1>, vector<16xf32>
        %exp3A_626 = math.exp %select_n3A_625 : vector<16xf32>
        %jit3A_627 = arith.constant 0.000000e+00 : f32
        %broadcast_in_dim3A_628 = vector.broadcast %jit3A_627 : f32 to vector<16xf32>
        %select_n3A_629 = arith.select %and3A_617, %exp3A_626, %broadcast_in_dim3A_628 : vector<16xi1>, vector<16xf32>
        %swap3A_630 = arith.constant 32 : index
        %swap3A_631 = tpu.vector_load %arg12[%swap3A_630] {strides = array<i32>} : memref<96xf32, #tpu.memory_space<vmem>>, vector<16xf32>,
        tpu.vector_store %arg12[%swap3A_630], %select_n3A_629 {strides = array<i32>} : memref<96xf32, #tpu.memory_space<vmem>>, vector<16xf32>,
        %add3A_632 = arith.addf %add3A_595, %select_n3A_629 : vector<16xf32>
        %jit3A_633 = arith.constant 1 : i32
        %jit3A_634 = arith.constant 0 : i32
        %broadcast_in_dim3A_635 = vector.broadcast %jit3A_633 : i32 to vector<16xi32>
        %broadcast_in_dim3A_636 = vector.broadcast %jit3A_634 : i32 to vector<16xi32>
        %select_n3A_637 = arith.select %and3A_617, %broadcast_in_dim3A_635, %broadcast_in_dim3A_636 : vector<16xi1>, vector<16xi32>
        %reduce_sum3A_638 = arith.constant true
        %reduce_sum3A_639 = vector.broadcast %reduce_sum3A_638 : i1 to vector<16xi1>
        %reduce_sum3A_640 = tpu.scan <sum>, %select_n3A_637 masked %reduce_sum3A_639 : vector<16xi32>, vector<16xi1> -> vector<16xi32>
        %reduce_sum3A_641 = vector.extract %reduce_sum3A_640[15] : i32 from vector<16xi32>
        %add3A_642 = arith.addi %add3A_605, %reduce_sum3A_641 : i32
        %add3A_643 = arith.constant 48 : i32
        %add3A_644 = arith.addi %min3A_533, %add3A_643 : i32
        %add3A_645 = vector.broadcast %add3A_644 : i32 to vector<16xi32>
        %add3A_646 = arith.addi %add3A_645, %iota3A : vector<16xi32>
        %gather3A_647 = tpu.vector_load_idx %arg8[%add3A_646] : memref<50000xi32, #tpu.memory_space<vmem>>[vector<16xi32>], vector<16xi32>,
        %get3A_648 = arith.constant 48 : index
        %get3A_649 = tpu.vector_load %arg9[%get3A_648] {strides = array<i32>} : memref<96xf32, #tpu.memory_space<vmem>>, vector<16xf32>,
        %eq3A_650 = vector.broadcast %add3A_371 : i32 to vector<16xi32>
        %eq3A_651 = arith.cmpi eq, %gather3A_647, %eq3A_650 : vector<16xi32>
        %ge3A_652 = vector.broadcast %while3A_476 : i32 to vector<16xi32>
        %ge3A_653 = arith.cmpi sge, %add3A_646, %ge3A_652 : vector<16xi32>
        %and3A_654 = arith.andi %eq3A_651, %ge3A_653 : vector<16xi1>
        %add3A_655 = arith.addf %gather3A_373, %get3A_649 : vector<16xf32>
        %ge3A_656 = arith.constant 0.000000e+00 : f32
        %ge3A_657 = vector.broadcast %ge3A_656 : f32 to vector<16xf32>
        %ge3A_658 = arith.cmpf oge, %add3A_655, %ge3A_657 : vector<16xf32>
        %mul3A_659 = arith.constant 0.00999999977 : f32
        %mul3A_660 = vector.broadcast %mul3A_659 : f32 to vector<16xf32>
        %mul3A_661 = arith.mulf %mul3A_660, %add3A_655 : vector<16xf32>
        %select_n3A_662 = arith.select %ge3A_658, %add3A_655, %mul3A_661 : vector<16xi1>, vector<16xf32>
        %exp3A_663 = math.exp %select_n3A_662 : vector<16xf32>
        %jit3A_664 = arith.constant 0.000000e+00 : f32
        %broadcast_in_dim3A_665 = vector.broadcast %jit3A_664 : f32 to vector<16xf32>
        %select_n3A_666 = arith.select %and3A_654, %exp3A_663, %broadcast_in_dim3A_665 : vector<16xi1>, vector<16xf32>
        %swap3A_667 = arith.constant 48 : index
        %swap3A_668 = tpu.vector_load %arg12[%swap3A_667] {strides = array<i32>} : memref<96xf32, #tpu.memory_space<vmem>>, vector<16xf32>,
        tpu.vector_store %arg12[%swap3A_667], %select_n3A_666 {strides = array<i32>} : memref<96xf32, #tpu.memory_space<vmem>>, vector<16xf32>,
        %add3A_669 = arith.addf %add3A_632, %select_n3A_666 : vector<16xf32>
        %jit3A_670 = arith.constant 1 : i32
        %jit3A_671 = arith.constant 0 : i32
        %broadcast_in_dim3A_672 = vector.broadcast %jit3A_670 : i32 to vector<16xi32>
        %broadcast_in_dim3A_673 = vector.broadcast %jit3A_671 : i32 to vector<16xi32>
        %select_n3A_674 = arith.select %and3A_654, %broadcast_in_dim3A_672, %broadcast_in_dim3A_673 : vector<16xi1>, vector<16xi32>
        %reduce_sum3A_675 = arith.constant true
        %reduce_sum3A_676 = vector.broadcast %reduce_sum3A_675 : i1 to vector<16xi1>
        %reduce_sum3A_677 = tpu.scan <sum>, %select_n3A_674 masked %reduce_sum3A_676 : vector<16xi32>, vector<16xi1> -> vector<16xi32>
        %reduce_sum3A_678 = vector.extract %reduce_sum3A_677[15] : i32 from vector<16xi32>
        %add3A_679 = arith.addi %add3A_642, %reduce_sum3A_678 : i32
        %add3A_680 = arith.constant 64 : i32
        %add3A_681 = arith.addi %min3A_533, %add3A_680 : i32
        %add3A_682 = vector.broadcast %add3A_681 : i32 to vector<16xi32>
        %add3A_683 = arith.addi %add3A_682, %iota3A : vector<16xi32>
        %gather3A_684 = tpu.vector_load_idx %arg8[%add3A_683] : memref<50000xi32, #tpu.memory_space<vmem>>[vector<16xi32>], vector<16xi32>,
        %get3A_685 = arith.constant 64 : index
        %get3A_686 = tpu.vector_load %arg9[%get3A_685] {strides = array<i32>} : memref<96xf32, #tpu.memory_space<vmem>>, vector<16xf32>,
        %eq3A_687 = vector.broadcast %add3A_371 : i32 to vector<16xi32>
        %eq3A_688 = arith.cmpi eq, %gather3A_684, %eq3A_687 : vector<16xi32>
        %ge3A_689 = vector.broadcast %while3A_476 : i32 to vector<16xi32>
        %ge3A_690 = arith.cmpi sge, %add3A_683, %ge3A_689 : vector<16xi32>
        %and3A_691 = arith.andi %eq3A_688, %ge3A_690 : vector<16xi1>
        %add3A_692 = arith.addf %gather3A_373, %get3A_686 : vector<16xf32>
        %ge3A_693 = arith.constant 0.000000e+00 : f32
        %ge3A_694 = vector.broadcast %ge3A_693 : f32 to vector<16xf32>
        %ge3A_695 = arith.cmpf oge, %add3A_692, %ge3A_694 : vector<16xf32>
        %mul3A_696 = arith.constant 0.00999999977 : f32
        %mul3A_697 = vector.broadcast %mul3A_696 : f32 to vector<16xf32>
        %mul3A_698 = arith.mulf %mul3A_697, %add3A_692 : vector<16xf32>
        %select_n3A_699 = arith.select %ge3A_695, %add3A_692, %mul3A_698 : vector<16xi1>, vector<16xf32>
        %exp3A_700 = math.exp %select_n3A_699 : vector<16xf32>
        %jit3A_701 = arith.constant 0.000000e+00 : f32
        %broadcast_in_dim3A_702 = vector.broadcast %jit3A_701 : f32 to vector<16xf32>
        %select_n3A_703 = arith.select %and3A_691, %exp3A_700, %broadcast_in_dim3A_702 : vector<16xi1>, vector<16xf32>
        %swap3A_704 = arith.constant 64 : index
        %swap3A_705 = tpu.vector_load %arg12[%swap3A_704] {strides = array<i32>} : memref<96xf32, #tpu.memory_space<vmem>>, vector<16xf32>,
        tpu.vector_store %arg12[%swap3A_704], %select_n3A_703 {strides = array<i32>} : memref<96xf32, #tpu.memory_space<vmem>>, vector<16xf32>,
        %add3A_706 = arith.addf %add3A_669, %select_n3A_703 : vector<16xf32>
        %jit3A_707 = arith.constant 1 : i32
        %jit3A_708 = arith.constant 0 : i32
        %broadcast_in_dim3A_709 = vector.broadcast %jit3A_707 : i32 to vector<16xi32>
        %broadcast_in_dim3A_710 = vector.broadcast %jit3A_708 : i32 to vector<16xi32>
        %select_n3A_711 = arith.select %and3A_691, %broadcast_in_dim3A_709, %broadcast_in_dim3A_710 : vector<16xi1>, vector<16xi32>
        %reduce_sum3A_712 = arith.constant true
        %reduce_sum3A_713 = vector.broadcast %reduce_sum3A_712 : i1 to vector<16xi1>
        %reduce_sum3A_714 = tpu.scan <sum>, %select_n3A_711 masked %reduce_sum3A_713 : vector<16xi32>, vector<16xi1> -> vector<16xi32>
        %reduce_sum3A_715 = vector.extract %reduce_sum3A_714[15] : i32 from vector<16xi32>
        %add3A_716 = arith.addi %add3A_679, %reduce_sum3A_715 : i32
        %add3A_717 = arith.constant 80 : i32
        %add3A_718 = arith.addi %min3A_533, %add3A_717 : i32
        %add3A_719 = vector.broadcast %add3A_718 : i32 to vector<16xi32>
        %add3A_720 = arith.addi %add3A_719, %iota3A : vector<16xi32>
        %gather3A_721 = tpu.vector_load_idx %arg8[%add3A_720] : memref<50000xi32, #tpu.memory_space<vmem>>[vector<16xi32>], vector<16xi32>,
        %get3A_722 = arith.constant 80 : index
        %get3A_723 = tpu.vector_load %arg9[%get3A_722] {strides = array<i32>} : memref<96xf32, #tpu.memory_space<vmem>>, vector<16xf32>,
        %eq3A_724 = vector.broadcast %add3A_371 : i32 to vector<16xi32>
        %eq3A_725 = arith.cmpi eq, %gather3A_721, %eq3A_724 : vector<16xi32>
        %ge3A_726 = vector.broadcast %while3A_476 : i32 to vector<16xi32>
        %ge3A_727 = arith.cmpi sge, %add3A_720, %ge3A_726 : vector<16xi32>
        %and3A_728 = arith.andi %eq3A_725, %ge3A_727 : vector<16xi1>
        %add3A_729 = arith.addf %gather3A_373, %get3A_723 : vector<16xf32>
        %ge3A_730 = arith.constant 0.000000e+00 : f32
        %ge3A_731 = vector.broadcast %ge3A_730 : f32 to vector<16xf32>
        %ge3A_732 = arith.cmpf oge, %add3A_729, %ge3A_731 : vector<16xf32>
        %mul3A_733 = arith.constant 0.00999999977 : f32
        %mul3A_734 = vector.broadcast %mul3A_733 : f32 to vector<16xf32>
        %mul3A_735 = arith.mulf %mul3A_734, %add3A_729 : vector<16xf32>
        %select_n3A_736 = arith.select %ge3A_732, %add3A_729, %mul3A_735 : vector<16xi1>, vector<16xf32>
        %exp3A_737 = math.exp %select_n3A_736 : vector<16xf32>
        %jit3A_738 = arith.constant 0.000000e+00 : f32
        %broadcast_in_dim3A_739 = vector.broadcast %jit3A_738 : f32 to vector<16xf32>
        %select_n3A_740 = arith.select %and3A_728, %exp3A_737, %broadcast_in_dim3A_739 : vector<16xi1>, vector<16xf32>
        %swap3A_741 = arith.constant 80 : index
        %swap3A_742 = tpu.vector_load %arg12[%swap3A_741] {strides = array<i32>} : memref<96xf32, #tpu.memory_space<vmem>>, vector<16xf32>,
        tpu.vector_store %arg12[%swap3A_741], %select_n3A_740 {strides = array<i32>} : memref<96xf32, #tpu.memory_space<vmem>>, vector<16xf32>,
        %add3A_743 = arith.addf %add3A_706, %select_n3A_740 : vector<16xf32>
        %jit3A_744 = arith.constant 1 : i32
        %jit3A_745 = arith.constant 0 : i32
        %broadcast_in_dim3A_746 = vector.broadcast %jit3A_744 : i32 to vector<16xi32>
        %broadcast_in_dim3A_747 = vector.broadcast %jit3A_745 : i32 to vector<16xi32>
        %select_n3A_748 = arith.select %and3A_728, %broadcast_in_dim3A_746, %broadcast_in_dim3A_747 : vector<16xi1>, vector<16xi32>
        %reduce_sum3A_749 = arith.constant true
        %reduce_sum3A_750 = vector.broadcast %reduce_sum3A_749 : i1 to vector<16xi1>
        %reduce_sum3A_751 = tpu.scan <sum>, %select_n3A_748 masked %reduce_sum3A_750 : vector<16xi32>, vector<16xi1> -> vector<16xi32>
        %reduce_sum3A_752 = vector.extract %reduce_sum3A_751[15] : i32 from vector<16xi32>
        %add3A_753 = arith.addi %add3A_716, %reduce_sum3A_752 : i32
        %scan3A_754 = arith.constant 0 : i32
        %scan3A_755 = arith.constant 96 : i32
        %scan3A_756 = arith.addi %scan3A_754, %scan3A_755 : i32
        %scan3A_757 = arith.constant 1 : i32
        %scan3A_758:32 = scf.for %scan3A_768 = %scan3A_754 to %scan3A_756 step %scan3A_757 iter_args(%scan3A_769 = %while3A_478, %scan3A_770 = %while3A_479, %scan3A_771 = %while3A_480, %scan3A_772 = %while3A_481, %scan3A_773 = %while3A_482, %scan3A_774 = %while3A_483, %scan3A_775 = %while3A_484, %scan3A_776 = %while3A_485, %scan3A_777 = %while3A_486, %scan3A_778 = %while3A_487, %scan3A_779 = %while3A_488, %scan3A_780 = %while3A_489, %scan3A_781 = %while3A_490, %scan3A_782 = %while3A_491, %scan3A_783 = %while3A_492, %scan3A_784 = %while3A_493, %scan3A_785 = %while3A_494, %scan3A_786 = %while3A_495, %scan3A_787 = %while3A_496, %scan3A_788 = %while3A_497, %scan3A_789 = %while3A_498, %scan3A_790 = %while3A_499, %scan3A_791 = %while3A_500, %scan3A_792 = %while3A_501, %scan3A_793 = %while3A_502, %scan3A_794 = %while3A_503, %scan3A_795 = %while3A_504, %scan3A_796 = %while3A_505, %scan3A_797 = %while3A_506, %scan3A_798 = %while3A_507, %scan3A_799 = %while3A_508, %scan3A_800 = %while3A_509) -> (vector<16xf32>, vector<16xf32>, vector<16xf32>, vector<16xf32>, vector<16xf32>, vector<16xf32>, vector<16xf32>, vector<16xf32>, vector<16xf32>, vector<16xf32>, vector<16xf32>, vector<16xf32>, vector<16xf32>, vector<16xf32>, vector<16xf32>, vector<16xf32>, vector<16xf32>, vector<16xf32>, vector<16xf32>, vector<16xf32>, vector<16xf32>, vector<16xf32>, vector<16xf32>, vector<16xf32>, vector<16xf32>, vector<16xf32>, vector<16xf32>, vector<16xf32>, vector<16xf32>, vector<16xf32>, vector<16xf32>, vector<16xf32>)  : i32 {
          %broadcast_in_dim3A_801 = vector.broadcast %scan3A_768 : i32 to vector<16xi32>
          %gather3A_802 = tpu.vector_load_idx %arg12[%broadcast_in_dim3A_801] : memref<96xf32, #tpu.memory_space<vmem>>[vector<16xi32>], vector<16xf32>,
          %get3A_803 = arith.index_cast %scan3A_768 : i32 to index
          %get3A_804 = arith.constant 0 : index
          %get3A_805 = tpu.vector_load %arg11[%get3A_803, %get3A_804] {strides = array<i32>} : memref<96x512xf32, #tpu.memory_space<vmem>>, vector<16xf32>,
          %mul3A_806 = arith.mulf %get3A_805, %gather3A_802 : vector<16xf32>
          %add3A_807 = arith.addf %scan3A_769, %mul3A_806 : vector<16xf32>
          %get3A_808 = arith.index_cast %scan3A_768 : i32 to index
          %get3A_809 = arith.constant 16 : index
          %get3A_810 = tpu.vector_load %arg11[%get3A_808, %get3A_809] {strides = array<i32>} : memref<96x512xf32, #tpu.memory_space<vmem>>, vector<16xf32>,
          %mul3A_811 = arith.mulf %get3A_810, %gather3A_802 : vector<16xf32>
          %add3A_812 = arith.addf %scan3A_770, %mul3A_811 : vector<16xf32>
          %get3A_813 = arith.index_cast %scan3A_768 : i32 to index
          %get3A_814 = arith.constant 32 : index
          %get3A_815 = tpu.vector_load %arg11[%get3A_813, %get3A_814] {strides = array<i32>} : memref<96x512xf32, #tpu.memory_space<vmem>>, vector<16xf32>,
          %mul3A_816 = arith.mulf %get3A_815, %gather3A_802 : vector<16xf32>
          %add3A_817 = arith.addf %scan3A_771, %mul3A_816 : vector<16xf32>
          %get3A_818 = arith.index_cast %scan3A_768 : i32 to index
          %get3A_819 = arith.constant 48 : index
          %get3A_820 = tpu.vector_load %arg11[%get3A_818, %get3A_819] {strides = array<i32>} : memref<96x512xf32, #tpu.memory_space<vmem>>, vector<16xf32>,
          %mul3A_821 = arith.mulf %get3A_820, %gather3A_802 : vector<16xf32>
          %add3A_822 = arith.addf %scan3A_772, %mul3A_821 : vector<16xf32>
          %get3A_823 = arith.index_cast %scan3A_768 : i32 to index
          %get3A_824 = arith.constant 64 : index
          %get3A_825 = tpu.vector_load %arg11[%get3A_823, %get3A_824] {strides = array<i32>} : memref<96x512xf32, #tpu.memory_space<vmem>>, vector<16xf32>,
          %mul3A_826 = arith.mulf %get3A_825, %gather3A_802 : vector<16xf32>
          %add3A_827 = arith.addf %scan3A_773, %mul3A_826 : vector<16xf32>
          %get3A_828 = arith.index_cast %scan3A_768 : i32 to index
          %get3A_829 = arith.constant 80 : index
          %get3A_830 = tpu.vector_load %arg11[%get3A_828, %get3A_829] {strides = array<i32>} : memref<96x512xf32, #tpu.memory_space<vmem>>, vector<16xf32>,
          %mul3A_831 = arith.mulf %get3A_830, %gather3A_802 : vector<16xf32>
          %add3A_832 = arith.addf %scan3A_774, %mul3A_831 : vector<16xf32>
          %get3A_833 = arith.index_cast %scan3A_768 : i32 to index
          %get3A_834 = arith.constant 96 : index
          %get3A_835 = tpu.vector_load %arg11[%get3A_833, %get3A_834] {strides = array<i32>} : memref<96x512xf32, #tpu.memory_space<vmem>>, vector<16xf32>,
          %mul3A_836 = arith.mulf %get3A_835, %gather3A_802 : vector<16xf32>
          %add3A_837 = arith.addf %scan3A_775, %mul3A_836 : vector<16xf32>
          %get3A_838 = arith.index_cast %scan3A_768 : i32 to index
          %get3A_839 = arith.constant 112 : index
          %get3A_840 = tpu.vector_load %arg11[%get3A_838, %get3A_839] {strides = array<i32>} : memref<96x512xf32, #tpu.memory_space<vmem>>, vector<16xf32>,
          %mul3A_841 = arith.mulf %get3A_840, %gather3A_802 : vector<16xf32>
          %add3A_842 = arith.addf %scan3A_776, %mul3A_841 : vector<16xf32>
          %get3A_843 = arith.index_cast %scan3A_768 : i32 to index
          %get3A_844 = arith.constant 128 : index
          %get3A_845 = tpu.vector_load %arg11[%get3A_843, %get3A_844] {strides = array<i32>} : memref<96x512xf32, #tpu.memory_space<vmem>>, vector<16xf32>,
          %mul3A_846 = arith.mulf %get3A_845, %gather3A_802 : vector<16xf32>
          %add3A_847 = arith.addf %scan3A_777, %mul3A_846 : vector<16xf32>
          %get3A_848 = arith.index_cast %scan3A_768 : i32 to index
          %get3A_849 = arith.constant 144 : index
          %get3A_850 = tpu.vector_load %arg11[%get3A_848, %get3A_849] {strides = array<i32>} : memref<96x512xf32, #tpu.memory_space<vmem>>, vector<16xf32>,
          %mul3A_851 = arith.mulf %get3A_850, %gather3A_802 : vector<16xf32>
          %add3A_852 = arith.addf %scan3A_778, %mul3A_851 : vector<16xf32>
          %get3A_853 = arith.index_cast %scan3A_768 : i32 to index
          %get3A_854 = arith.constant 160 : index
          %get3A_855 = tpu.vector_load %arg11[%get3A_853, %get3A_854] {strides = array<i32>} : memref<96x512xf32, #tpu.memory_space<vmem>>, vector<16xf32>,
          %mul3A_856 = arith.mulf %get3A_855, %gather3A_802 : vector<16xf32>
          %add3A_857 = arith.addf %scan3A_779, %mul3A_856 : vector<16xf32>
          %get3A_858 = arith.index_cast %scan3A_768 : i32 to index
          %get3A_859 = arith.constant 176 : index
          %get3A_860 = tpu.vector_load %arg11[%get3A_858, %get3A_859] {strides = array<i32>} : memref<96x512xf32, #tpu.memory_space<vmem>>, vector<16xf32>,
          %mul3A_861 = arith.mulf %get3A_860, %gather3A_802 : vector<16xf32>
          %add3A_862 = arith.addf %scan3A_780, %mul3A_861 : vector<16xf32>
          %get3A_863 = arith.index_cast %scan3A_768 : i32 to index
          %get3A_864 = arith.constant 192 : index
          %get3A_865 = tpu.vector_load %arg11[%get3A_863, %get3A_864] {strides = array<i32>} : memref<96x512xf32, #tpu.memory_space<vmem>>, vector<16xf32>,
          %mul3A_866 = arith.mulf %get3A_865, %gather3A_802 : vector<16xf32>
          %add3A_867 = arith.addf %scan3A_781, %mul3A_866 : vector<16xf32>
          %get3A_868 = arith.index_cast %scan3A_768 : i32 to index
          %get3A_869 = arith.constant 208 : index
          %get3A_870 = tpu.vector_load %arg11[%get3A_868, %get3A_869] {strides = array<i32>} : memref<96x512xf32, #tpu.memory_space<vmem>>, vector<16xf32>,
          %mul3A_871 = arith.mulf %get3A_870, %gather3A_802 : vector<16xf32>
          %add3A_872 = arith.addf %scan3A_782, %mul3A_871 : vector<16xf32>
          %get3A_873 = arith.index_cast %scan3A_768 : i32 to index
          %get3A_874 = arith.constant 224 : index
          %get3A_875 = tpu.vector_load %arg11[%get3A_873, %get3A_874] {strides = array<i32>} : memref<96x512xf32, #tpu.memory_space<vmem>>, vector<16xf32>,
          %mul3A_876 = arith.mulf %get3A_875, %gather3A_802 : vector<16xf32>
          %add3A_877 = arith.addf %scan3A_783, %mul3A_876 : vector<16xf32>
          %get3A_878 = arith.index_cast %scan3A_768 : i32 to index
          %get3A_879 = arith.constant 240 : index
          %get3A_880 = tpu.vector_load %arg11[%get3A_878, %get3A_879] {strides = array<i32>} : memref<96x512xf32, #tpu.memory_space<vmem>>, vector<16xf32>,
          %mul3A_881 = arith.mulf %get3A_880, %gather3A_802 : vector<16xf32>
          %add3A_882 = arith.addf %scan3A_784, %mul3A_881 : vector<16xf32>
          %get3A_883 = arith.index_cast %scan3A_768 : i32 to index
          %get3A_884 = arith.constant 256 : index
          %get3A_885 = tpu.vector_load %arg11[%get3A_883, %get3A_884] {strides = array<i32>} : memref<96x512xf32, #tpu.memory_space<vmem>>, vector<16xf32>,
          %mul3A_886 = arith.mulf %get3A_885, %gather3A_802 : vector<16xf32>
          %add3A_887 = arith.addf %scan3A_785, %mul3A_886 : vector<16xf32>
          %get3A_888 = arith.index_cast %scan3A_768 : i32 to index
          %get3A_889 = arith.constant 272 : index
          %get3A_890 = tpu.vector_load %arg11[%get3A_888, %get3A_889] {strides = array<i32>} : memref<96x512xf32, #tpu.memory_space<vmem>>, vector<16xf32>,
          %mul3A_891 = arith.mulf %get3A_890, %gather3A_802 : vector<16xf32>
          %add3A_892 = arith.addf %scan3A_786, %mul3A_891 : vector<16xf32>
          %get3A_893 = arith.index_cast %scan3A_768 : i32 to index
          %get3A_894 = arith.constant 288 : index
          %get3A_895 = tpu.vector_load %arg11[%get3A_893, %get3A_894] {strides = array<i32>} : memref<96x512xf32, #tpu.memory_space<vmem>>, vector<16xf32>,
          %mul3A_896 = arith.mulf %get3A_895, %gather3A_802 : vector<16xf32>
          %add3A_897 = arith.addf %scan3A_787, %mul3A_896 : vector<16xf32>
          %get3A_898 = arith.index_cast %scan3A_768 : i32 to index
          %get3A_899 = arith.constant 304 : index
          %get3A_900 = tpu.vector_load %arg11[%get3A_898, %get3A_899] {strides = array<i32>} : memref<96x512xf32, #tpu.memory_space<vmem>>, vector<16xf32>,
          %mul3A_901 = arith.mulf %get3A_900, %gather3A_802 : vector<16xf32>
          %add3A_902 = arith.addf %scan3A_788, %mul3A_901 : vector<16xf32>
          %get3A_903 = arith.index_cast %scan3A_768 : i32 to index
          %get3A_904 = arith.constant 320 : index
          %get3A_905 = tpu.vector_load %arg11[%get3A_903, %get3A_904] {strides = array<i32>} : memref<96x512xf32, #tpu.memory_space<vmem>>, vector<16xf32>,
          %mul3A_906 = arith.mulf %get3A_905, %gather3A_802 : vector<16xf32>
          %add3A_907 = arith.addf %scan3A_789, %mul3A_906 : vector<16xf32>
          %get3A_908 = arith.index_cast %scan3A_768 : i32 to index
          %get3A_909 = arith.constant 336 : index
          %get3A_910 = tpu.vector_load %arg11[%get3A_908, %get3A_909] {strides = array<i32>} : memref<96x512xf32, #tpu.memory_space<vmem>>, vector<16xf32>,
          %mul3A_911 = arith.mulf %get3A_910, %gather3A_802 : vector<16xf32>
          %add3A_912 = arith.addf %scan3A_790, %mul3A_911 : vector<16xf32>
          %get3A_913 = arith.index_cast %scan3A_768 : i32 to index
          %get3A_914 = arith.constant 352 : index
          %get3A_915 = tpu.vector_load %arg11[%get3A_913, %get3A_914] {strides = array<i32>} : memref<96x512xf32, #tpu.memory_space<vmem>>, vector<16xf32>,
          %mul3A_916 = arith.mulf %get3A_915, %gather3A_802 : vector<16xf32>
          %add3A_917 = arith.addf %scan3A_791, %mul3A_916 : vector<16xf32>
          %get3A_918 = arith.index_cast %scan3A_768 : i32 to index
          %get3A_919 = arith.constant 368 : index
          %get3A_920 = tpu.vector_load %arg11[%get3A_918, %get3A_919] {strides = array<i32>} : memref<96x512xf32, #tpu.memory_space<vmem>>, vector<16xf32>,
          %mul3A_921 = arith.mulf %get3A_920, %gather3A_802 : vector<16xf32>
          %add3A_922 = arith.addf %scan3A_792, %mul3A_921 : vector<16xf32>
          %get3A_923 = arith.index_cast %scan3A_768 : i32 to index
          %get3A_924 = arith.constant 384 : index
          %get3A_925 = tpu.vector_load %arg11[%get3A_923, %get3A_924] {strides = array<i32>} : memref<96x512xf32, #tpu.memory_space<vmem>>, vector<16xf32>,
          %mul3A_926 = arith.mulf %get3A_925, %gather3A_802 : vector<16xf32>
          %add3A_927 = arith.addf %scan3A_793, %mul3A_926 : vector<16xf32>
          %get3A_928 = arith.index_cast %scan3A_768 : i32 to index
          %get3A_929 = arith.constant 400 : index
          %get3A_930 = tpu.vector_load %arg11[%get3A_928, %get3A_929] {strides = array<i32>} : memref<96x512xf32, #tpu.memory_space<vmem>>, vector<16xf32>,
          %mul3A_931 = arith.mulf %get3A_930, %gather3A_802 : vector<16xf32>
          %add3A_932 = arith.addf %scan3A_794, %mul3A_931 : vector<16xf32>
          %get3A_933 = arith.index_cast %scan3A_768 : i32 to index
          %get3A_934 = arith.constant 416 : index
          %get3A_935 = tpu.vector_load %arg11[%get3A_933, %get3A_934] {strides = array<i32>} : memref<96x512xf32, #tpu.memory_space<vmem>>, vector<16xf32>,
          %mul3A_936 = arith.mulf %get3A_935, %gather3A_802 : vector<16xf32>
          %add3A_937 = arith.addf %scan3A_795, %mul3A_936 : vector<16xf32>
          %get3A_938 = arith.index_cast %scan3A_768 : i32 to index
          %get3A_939 = arith.constant 432 : index
          %get3A_940 = tpu.vector_load %arg11[%get3A_938, %get3A_939] {strides = array<i32>} : memref<96x512xf32, #tpu.memory_space<vmem>>, vector<16xf32>,
          %mul3A_941 = arith.mulf %get3A_940, %gather3A_802 : vector<16xf32>
          %add3A_942 = arith.addf %scan3A_796, %mul3A_941 : vector<16xf32>
          %get3A_943 = arith.index_cast %scan3A_768 : i32 to index
          %get3A_944 = arith.constant 448 : index
          %get3A_945 = tpu.vector_load %arg11[%get3A_943, %get3A_944] {strides = array<i32>} : memref<96x512xf32, #tpu.memory_space<vmem>>, vector<16xf32>,
          %mul3A_946 = arith.mulf %get3A_945, %gather3A_802 : vector<16xf32>
          %add3A_947 = arith.addf %scan3A_797, %mul3A_946 : vector<16xf32>
          %get3A_948 = arith.index_cast %scan3A_768 : i32 to index
          %get3A_949 = arith.constant 464 : index
          %get3A_950 = tpu.vector_load %arg11[%get3A_948, %get3A_949] {strides = array<i32>} : memref<96x512xf32, #tpu.memory_space<vmem>>, vector<16xf32>,
          %mul3A_951 = arith.mulf %get3A_950, %gather3A_802 : vector<16xf32>
          %add3A_952 = arith.addf %scan3A_798, %mul3A_951 : vector<16xf32>
          %get3A_953 = arith.index_cast %scan3A_768 : i32 to index
          %get3A_954 = arith.constant 480 : index
          %get3A_955 = tpu.vector_load %arg11[%get3A_953, %get3A_954] {strides = array<i32>} : memref<96x512xf32, #tpu.memory_space<vmem>>, vector<16xf32>,
          %mul3A_956 = arith.mulf %get3A_955, %gather3A_802 : vector<16xf32>
          %add3A_957 = arith.addf %scan3A_799, %mul3A_956 : vector<16xf32>
          %get3A_958 = arith.index_cast %scan3A_768 : i32 to index
          %get3A_959 = arith.constant 496 : index
          %get3A_960 = tpu.vector_load %arg11[%get3A_958, %get3A_959] {strides = array<i32>} : memref<96x512xf32, #tpu.memory_space<vmem>>, vector<16xf32>,
          %mul3A_961 = arith.mulf %get3A_960, %gather3A_802 : vector<16xf32>
          %add3A_962 = arith.addf %scan3A_800, %mul3A_961 : vector<16xf32>
          scf.yield %add3A_807, %add3A_812, %add3A_817, %add3A_822, %add3A_827, %add3A_832, %add3A_837, %add3A_842, %add3A_847, %add3A_852, %add3A_857, %add3A_862, %add3A_867, %add3A_872, %add3A_877, %add3A_882, %add3A_887, %add3A_892, %add3A_897, %add3A_902, %add3A_907, %add3A_912, %add3A_917, %add3A_922, %add3A_927, %add3A_932, %add3A_937, %add3A_942, %add3A_947, %add3A_952, %add3A_957, %add3A_962 : vector<16xf32>, vector<16xf32>, vector<16xf32>, vector<16xf32>, vector<16xf32>, vector<16xf32>, vector<16xf32>, vector<16xf32>, vector<16xf32>, vector<16xf32>, vector<16xf32>, vector<16xf32>, vector<16xf32>, vector<16xf32>, vector<16xf32>, vector<16xf32>, vector<16xf32>, vector<16xf32>, vector<16xf32>, vector<16xf32>, vector<16xf32>, vector<16xf32>, vector<16xf32>, vector<16xf32>, vector<16xf32>, vector<16xf32>, vector<16xf32>, vector<16xf32>, vector<16xf32>, vector<16xf32>, vector<16xf32>, vector<16xf32>
        }
        %scan3A_759 = arith.constant 96 : i32
        %add3A_760 = arith.constant 96 : i32
        %add3A_761 = arith.addi %min3A_533, %add3A_760 : i32
        %sub3A_762 = arith.subi %add3A_761, %while3A_476 : i32
        %eq3A_763 = arith.cmpi eq, %add3A_753, %sub3A_762 : i32
        %gt3A = arith.constant 0 : i32
        %gt3A_764 = arith.cmpi sgt, %sub3A_762, %gt3A : i32
        %and3A_765 = arith.andi %eq3A_763, %gt3A_764 : i1
        %add3A_766 = arith.addi %while3A_476, %add3A_753 : i32
        %add3A_767 = arith.addf %while3A_477, %add3A_743 : vector<16xf32>
        scf.yield %and3A_765, %add3A_766, %add3A_767, %scan3A_758#0, %scan3A_758#1, %scan3A_758#2, %scan3A_758#3, %scan3A_758#4, %scan3A_758#5, %scan3A_758#6, %scan3A_758#7, %scan3A_758#8, %scan3A_758#9, %scan3A_758#10, %scan3A_758#11, %scan3A_758#12, %scan3A_758#13, %scan3A_758#14, %scan3A_758#15, %scan3A_758#16, %scan3A_758#17, %scan3A_758#18, %scan3A_758#19, %scan3A_758#20, %scan3A_758#21, %scan3A_758#22, %scan3A_758#23, %scan3A_758#24, %scan3A_758#25, %scan3A_758#26, %scan3A_758#27, %scan3A_758#28, %scan3A_758#29, %scan3A_758#30, %scan3A_758#31 : i1, i32, vector<16xf32>, vector<16xf32>, vector<16xf32>, vector<16xf32>, vector<16xf32>, vector<16xf32>, vector<16xf32>, vector<16xf32>, vector<16xf32>, vector<16xf32>, vector<16xf32>, vector<16xf32>, vector<16xf32>, vector<16xf32>, vector<16xf32>, vector<16xf32>, vector<16xf32>, vector<16xf32>, vector<16xf32>, vector<16xf32>, vector<16xf32>, vector<16xf32>, vector<16xf32>, vector<16xf32>, vector<16xf32>, vector<16xf32>, vector<16xf32>, vector<16xf32>, vector<16xf32>, vector<16xf32>, vector<16xf32>, vector<16xf32>, vector<16xf32>
      }
      %swap3A = arith.index_cast %scan3A_369 : i32 to index
      %swap3A_377 = arith.constant 0 : index
      %swap3A_378 = tpu.vector_load %arg13[%swap3A, %swap3A_377] {strides = array<i32>} : memref<32x512xf32, #tpu.memory_space<vmem>>, vector<16xf32>,
      tpu.vector_store %arg13[%swap3A, %swap3A_377], %while3A_376#3 {strides = array<i32>} : memref<32x512xf32, #tpu.memory_space<vmem>>, vector<16xf32>,
      %swap3A_379 = arith.index_cast %scan3A_369 : i32 to index
      %swap3A_380 = arith.constant 16 : index
      %swap3A_381 = tpu.vector_load %arg13[%swap3A_379, %swap3A_380] {strides = array<i32>} : memref<32x512xf32, #tpu.memory_space<vmem>>, vector<16xf32>,
      tpu.vector_store %arg13[%swap3A_379, %swap3A_380], %while3A_376#4 {strides = array<i32>} : memref<32x512xf32, #tpu.memory_space<vmem>>, vector<16xf32>,
      %swap3A_382 = arith.index_cast %scan3A_369 : i32 to index
      %swap3A_383 = arith.constant 32 : index
      %swap3A_384 = tpu.vector_load %arg13[%swap3A_382, %swap3A_383] {strides = array<i32>} : memref<32x512xf32, #tpu.memory_space<vmem>>, vector<16xf32>,
      tpu.vector_store %arg13[%swap3A_382, %swap3A_383], %while3A_376#5 {strides = array<i32>} : memref<32x512xf32, #tpu.memory_space<vmem>>, vector<16xf32>,
      %swap3A_385 = arith.index_cast %scan3A_369 : i32 to index
      %swap3A_386 = arith.constant 48 : index
      %swap3A_387 = tpu.vector_load %arg13[%swap3A_385, %swap3A_386] {strides = array<i32>} : memref<32x512xf32, #tpu.memory_space<vmem>>, vector<16xf32>,
      tpu.vector_store %arg13[%swap3A_385, %swap3A_386], %while3A_376#6 {strides = array<i32>} : memref<32x512xf32, #tpu.memory_space<vmem>>, vector<16xf32>,
      %swap3A_388 = arith.index_cast %scan3A_369 : i32 to index
      %swap3A_389 = arith.constant 64 : index
      %swap3A_390 = tpu.vector_load %arg13[%swap3A_388, %swap3A_389] {strides = array<i32>} : memref<32x512xf32, #tpu.memory_space<vmem>>, vector<16xf32>,
      tpu.vector_store %arg13[%swap3A_388, %swap3A_389], %while3A_376#7 {strides = array<i32>} : memref<32x512xf32, #tpu.memory_space<vmem>>, vector<16xf32>,
      %swap3A_391 = arith.index_cast %scan3A_369 : i32 to index
      %swap3A_392 = arith.constant 80 : index
      %swap3A_393 = tpu.vector_load %arg13[%swap3A_391, %swap3A_392] {strides = array<i32>} : memref<32x512xf32, #tpu.memory_space<vmem>>, vector<16xf32>,
      tpu.vector_store %arg13[%swap3A_391, %swap3A_392], %while3A_376#8 {strides = array<i32>} : memref<32x512xf32, #tpu.memory_space<vmem>>, vector<16xf32>,
      %swap3A_394 = arith.index_cast %scan3A_369 : i32 to index
      %swap3A_395 = arith.constant 96 : index
      %swap3A_396 = tpu.vector_load %arg13[%swap3A_394, %swap3A_395] {strides = array<i32>} : memref<32x512xf32, #tpu.memory_space<vmem>>, vector<16xf32>,
      tpu.vector_store %arg13[%swap3A_394, %swap3A_395], %while3A_376#9 {strides = array<i32>} : memref<32x512xf32, #tpu.memory_space<vmem>>, vector<16xf32>,
      %swap3A_397 = arith.index_cast %scan3A_369 : i32 to index
      %swap3A_398 = arith.constant 112 : index
      %swap3A_399 = tpu.vector_load %arg13[%swap3A_397, %swap3A_398] {strides = array<i32>} : memref<32x512xf32, #tpu.memory_space<vmem>>, vector<16xf32>,
      tpu.vector_store %arg13[%swap3A_397, %swap3A_398], %while3A_376#10 {strides = array<i32>} : memref<32x512xf32, #tpu.memory_space<vmem>>, vector<16xf32>,
      %swap3A_400 = arith.index_cast %scan3A_369 : i32 to index
      %swap3A_401 = arith.constant 128 : index
      %swap3A_402 = tpu.vector_load %arg13[%swap3A_400, %swap3A_401] {strides = array<i32>} : memref<32x512xf32, #tpu.memory_space<vmem>>, vector<16xf32>,
      tpu.vector_store %arg13[%swap3A_400, %swap3A_401], %while3A_376#11 {strides = array<i32>} : memref<32x512xf32, #tpu.memory_space<vmem>>, vector<16xf32>,
      %swap3A_403 = arith.index_cast %scan3A_369 : i32 to index
      %swap3A_404 = arith.constant 144 : index
      %swap3A_405 = tpu.vector_load %arg13[%swap3A_403, %swap3A_404] {strides = array<i32>} : memref<32x512xf32, #tpu.memory_space<vmem>>, vector<16xf32>,
      tpu.vector_store %arg13[%swap3A_403, %swap3A_404], %while3A_376#12 {strides = array<i32>} : memref<32x512xf32, #tpu.memory_space<vmem>>, vector<16xf32>,
      %swap3A_406 = arith.index_cast %scan3A_369 : i32 to index
      %swap3A_407 = arith.constant 160 : index
      %swap3A_408 = tpu.vector_load %arg13[%swap3A_406, %swap3A_407] {strides = array<i32>} : memref<32x512xf32, #tpu.memory_space<vmem>>, vector<16xf32>,
      tpu.vector_store %arg13[%swap3A_406, %swap3A_407], %while3A_376#13 {strides = array<i32>} : memref<32x512xf32, #tpu.memory_space<vmem>>, vector<16xf32>,
      %swap3A_409 = arith.index_cast %scan3A_369 : i32 to index
      %swap3A_410 = arith.constant 176 : index
      %swap3A_411 = tpu.vector_load %arg13[%swap3A_409, %swap3A_410] {strides = array<i32>} : memref<32x512xf32, #tpu.memory_space<vmem>>, vector<16xf32>,
      tpu.vector_store %arg13[%swap3A_409, %swap3A_410], %while3A_376#14 {strides = array<i32>} : memref<32x512xf32, #tpu.memory_space<vmem>>, vector<16xf32>,
      %swap3A_412 = arith.index_cast %scan3A_369 : i32 to index
      %swap3A_413 = arith.constant 192 : index
      %swap3A_414 = tpu.vector_load %arg13[%swap3A_412, %swap3A_413] {strides = array<i32>} : memref<32x512xf32, #tpu.memory_space<vmem>>, vector<16xf32>,
      tpu.vector_store %arg13[%swap3A_412, %swap3A_413], %while3A_376#15 {strides = array<i32>} : memref<32x512xf32, #tpu.memory_space<vmem>>, vector<16xf32>,
      %swap3A_415 = arith.index_cast %scan3A_369 : i32 to index
      %swap3A_416 = arith.constant 208 : index
      %swap3A_417 = tpu.vector_load %arg13[%swap3A_415, %swap3A_416] {strides = array<i32>} : memref<32x512xf32, #tpu.memory_space<vmem>>, vector<16xf32>,
      tpu.vector_store %arg13[%swap3A_415, %swap3A_416], %while3A_376#16 {strides = array<i32>} : memref<32x512xf32, #tpu.memory_space<vmem>>, vector<16xf32>,
      %swap3A_418 = arith.index_cast %scan3A_369 : i32 to index
      %swap3A_419 = arith.constant 224 : index
      %swap3A_420 = tpu.vector_load %arg13[%swap3A_418, %swap3A_419] {strides = array<i32>} : memref<32x512xf32, #tpu.memory_space<vmem>>, vector<16xf32>,
      tpu.vector_store %arg13[%swap3A_418, %swap3A_419], %while3A_376#17 {strides = array<i32>} : memref<32x512xf32, #tpu.memory_space<vmem>>, vector<16xf32>,
      %swap3A_421 = arith.index_cast %scan3A_369 : i32 to index
      %swap3A_422 = arith.constant 240 : index
      %swap3A_423 = tpu.vector_load %arg13[%swap3A_421, %swap3A_422] {strides = array<i32>} : memref<32x512xf32, #tpu.memory_space<vmem>>, vector<16xf32>,
      tpu.vector_store %arg13[%swap3A_421, %swap3A_422], %while3A_376#18 {strides = array<i32>} : memref<32x512xf32, #tpu.memory_space<vmem>>, vector<16xf32>,
      %swap3A_424 = arith.index_cast %scan3A_369 : i32 to index
      %swap3A_425 = arith.constant 256 : index
      %swap3A_426 = tpu.vector_load %arg13[%swap3A_424, %swap3A_425] {strides = array<i32>} : memref<32x512xf32, #tpu.memory_space<vmem>>, vector<16xf32>,
      tpu.vector_store %arg13[%swap3A_424, %swap3A_425], %while3A_376#19 {strides = array<i32>} : memref<32x512xf32, #tpu.memory_space<vmem>>, vector<16xf32>,
      %swap3A_427 = arith.index_cast %scan3A_369 : i32 to index
      %swap3A_428 = arith.constant 272 : index
      %swap3A_429 = tpu.vector_load %arg13[%swap3A_427, %swap3A_428] {strides = array<i32>} : memref<32x512xf32, #tpu.memory_space<vmem>>, vector<16xf32>,
      tpu.vector_store %arg13[%swap3A_427, %swap3A_428], %while3A_376#20 {strides = array<i32>} : memref<32x512xf32, #tpu.memory_space<vmem>>, vector<16xf32>,
      %swap3A_430 = arith.index_cast %scan3A_369 : i32 to index
      %swap3A_431 = arith.constant 288 : index
      %swap3A_432 = tpu.vector_load %arg13[%swap3A_430, %swap3A_431] {strides = array<i32>} : memref<32x512xf32, #tpu.memory_space<vmem>>, vector<16xf32>,
      tpu.vector_store %arg13[%swap3A_430, %swap3A_431], %while3A_376#21 {strides = array<i32>} : memref<32x512xf32, #tpu.memory_space<vmem>>, vector<16xf32>,
      %swap3A_433 = arith.index_cast %scan3A_369 : i32 to index
      %swap3A_434 = arith.constant 304 : index
      %swap3A_435 = tpu.vector_load %arg13[%swap3A_433, %swap3A_434] {strides = array<i32>} : memref<32x512xf32, #tpu.memory_space<vmem>>, vector<16xf32>,
      tpu.vector_store %arg13[%swap3A_433, %swap3A_434], %while3A_376#22 {strides = array<i32>} : memref<32x512xf32, #tpu.memory_space<vmem>>, vector<16xf32>,
      %swap3A_436 = arith.index_cast %scan3A_369 : i32 to index
      %swap3A_437 = arith.constant 320 : index
      %swap3A_438 = tpu.vector_load %arg13[%swap3A_436, %swap3A_437] {strides = array<i32>} : memref<32x512xf32, #tpu.memory_space<vmem>>, vector<16xf32>,
      tpu.vector_store %arg13[%swap3A_436, %swap3A_437], %while3A_376#23 {strides = array<i32>} : memref<32x512xf32, #tpu.memory_space<vmem>>, vector<16xf32>,
      %swap3A_439 = arith.index_cast %scan3A_369 : i32 to index
      %swap3A_440 = arith.constant 336 : index
      %swap3A_441 = tpu.vector_load %arg13[%swap3A_439, %swap3A_440] {strides = array<i32>} : memref<32x512xf32, #tpu.memory_space<vmem>>, vector<16xf32>,
      tpu.vector_store %arg13[%swap3A_439, %swap3A_440], %while3A_376#24 {strides = array<i32>} : memref<32x512xf32, #tpu.memory_space<vmem>>, vector<16xf32>,
      %swap3A_442 = arith.index_cast %scan3A_369 : i32 to index
      %swap3A_443 = arith.constant 352 : index
      %swap3A_444 = tpu.vector_load %arg13[%swap3A_442, %swap3A_443] {strides = array<i32>} : memref<32x512xf32, #tpu.memory_space<vmem>>, vector<16xf32>,
      tpu.vector_store %arg13[%swap3A_442, %swap3A_443], %while3A_376#25 {strides = array<i32>} : memref<32x512xf32, #tpu.memory_space<vmem>>, vector<16xf32>,
      %swap3A_445 = arith.index_cast %scan3A_369 : i32 to index
      %swap3A_446 = arith.constant 368 : index
      %swap3A_447 = tpu.vector_load %arg13[%swap3A_445, %swap3A_446] {strides = array<i32>} : memref<32x512xf32, #tpu.memory_space<vmem>>, vector<16xf32>,
      tpu.vector_store %arg13[%swap3A_445, %swap3A_446], %while3A_376#26 {strides = array<i32>} : memref<32x512xf32, #tpu.memory_space<vmem>>, vector<16xf32>,
      %swap3A_448 = arith.index_cast %scan3A_369 : i32 to index
      %swap3A_449 = arith.constant 384 : index
      %swap3A_450 = tpu.vector_load %arg13[%swap3A_448, %swap3A_449] {strides = array<i32>} : memref<32x512xf32, #tpu.memory_space<vmem>>, vector<16xf32>,
      tpu.vector_store %arg13[%swap3A_448, %swap3A_449], %while3A_376#27 {strides = array<i32>} : memref<32x512xf32, #tpu.memory_space<vmem>>, vector<16xf32>,
      %swap3A_451 = arith.index_cast %scan3A_369 : i32 to index
      %swap3A_452 = arith.constant 400 : index
      %swap3A_453 = tpu.vector_load %arg13[%swap3A_451, %swap3A_452] {strides = array<i32>} : memref<32x512xf32, #tpu.memory_space<vmem>>, vector<16xf32>,
      tpu.vector_store %arg13[%swap3A_451, %swap3A_452], %while3A_376#28 {strides = array<i32>} : memref<32x512xf32, #tpu.memory_space<vmem>>, vector<16xf32>,
      %swap3A_454 = arith.index_cast %scan3A_369 : i32 to index
      %swap3A_455 = arith.constant 416 : index
      %swap3A_456 = tpu.vector_load %arg13[%swap3A_454, %swap3A_455] {strides = array<i32>} : memref<32x512xf32, #tpu.memory_space<vmem>>, vector<16xf32>,
      tpu.vector_store %arg13[%swap3A_454, %swap3A_455], %while3A_376#29 {strides = array<i32>} : memref<32x512xf32, #tpu.memory_space<vmem>>, vector<16xf32>,
      %swap3A_457 = arith.index_cast %scan3A_369 : i32 to index
      %swap3A_458 = arith.constant 432 : index
      %swap3A_459 = tpu.vector_load %arg13[%swap3A_457, %swap3A_458] {strides = array<i32>} : memref<32x512xf32, #tpu.memory_space<vmem>>, vector<16xf32>,
      tpu.vector_store %arg13[%swap3A_457, %swap3A_458], %while3A_376#30 {strides = array<i32>} : memref<32x512xf32, #tpu.memory_space<vmem>>, vector<16xf32>,
      %swap3A_460 = arith.index_cast %scan3A_369 : i32 to index
      %swap3A_461 = arith.constant 448 : index
      %swap3A_462 = tpu.vector_load %arg13[%swap3A_460, %swap3A_461] {strides = array<i32>} : memref<32x512xf32, #tpu.memory_space<vmem>>, vector<16xf32>,
      tpu.vector_store %arg13[%swap3A_460, %swap3A_461], %while3A_376#31 {strides = array<i32>} : memref<32x512xf32, #tpu.memory_space<vmem>>, vector<16xf32>,
      %swap3A_463 = arith.index_cast %scan3A_369 : i32 to index
      %swap3A_464 = arith.constant 464 : index
      %swap3A_465 = tpu.vector_load %arg13[%swap3A_463, %swap3A_464] {strides = array<i32>} : memref<32x512xf32, #tpu.memory_space<vmem>>, vector<16xf32>,
      tpu.vector_store %arg13[%swap3A_463, %swap3A_464], %while3A_376#32 {strides = array<i32>} : memref<32x512xf32, #tpu.memory_space<vmem>>, vector<16xf32>,
      %swap3A_466 = arith.index_cast %scan3A_369 : i32 to index
      %swap3A_467 = arith.constant 480 : index
      %swap3A_468 = tpu.vector_load %arg13[%swap3A_466, %swap3A_467] {strides = array<i32>} : memref<32x512xf32, #tpu.memory_space<vmem>>, vector<16xf32>,
      tpu.vector_store %arg13[%swap3A_466, %swap3A_467], %while3A_376#33 {strides = array<i32>} : memref<32x512xf32, #tpu.memory_space<vmem>>, vector<16xf32>,
      %swap3A_469 = arith.index_cast %scan3A_369 : i32 to index
      %swap3A_470 = arith.constant 496 : index
      %swap3A_471 = tpu.vector_load %arg13[%swap3A_469, %swap3A_470] {strides = array<i32>} : memref<32x512xf32, #tpu.memory_space<vmem>>, vector<16xf32>,
      tpu.vector_store %arg13[%swap3A_469, %swap3A_470], %while3A_376#34 {strides = array<i32>} : memref<32x512xf32, #tpu.memory_space<vmem>>, vector<16xf32>,
      %swap3A_472 = arith.index_cast %scan3A_369 : i32 to index
      %swap3A_473 = arith.constant 0 : index
      %swap3A_474 = tpu.vector_load %arg14[%swap3A_472, %swap3A_473] {strides = array<i32>} : memref<32x16xf32, #tpu.memory_space<vmem>>, vector<16xf32>,
      tpu.vector_store %arg14[%swap3A_472, %swap3A_473], %while3A_376#2 {strides = array<i32>} : memref<32x16xf32, #tpu.memory_space<vmem>>, vector<16xf32>,
      scf.yield %while3A_376#1 : i32
    }
    %scan3A_368 = arith.constant 32 : i32
    "tpu.region"() ({
      %run_scoped3A = tpu.sem_alloc : memref<!tpu.dma_semaphore, #tpu.memory_space<semaphore_mem>>
      %dma_start3A = arith.constant 0 : i32
      %dma_start3A_369 = tpu.memref_slice %arg6[%mul3A_2, %dma_start3A] : memref<1024x512xf32, #tpu.memory_space<hbm>> -> memref<32x512xf32, #tpu.memory_space<hbm>>
      %dma_start3A_370 = arith.constant 0 : i32
      %dma_start3A_371 = tpu.memref_slice %arg6[%mul3A_2, %dma_start3A_370] : memref<1024x512xf32, #tpu.memory_space<hbm>> -> memref<32x512xf32, #tpu.memory_space<hbm>>
      tpu.enqueue_dma source(%arg13 : memref<32x512xf32, #tpu.memory_space<vmem>>) target(%dma_start3A_371 : memref<32x512xf32, #tpu.memory_space<hbm>>) target_semaphore(%run_scoped3A : memref<!tpu.dma_semaphore, #tpu.memory_space<semaphore_mem>>)
      %dma_wait3A = arith.constant 0 : i32
      %dma_wait3A_372 = tpu.memref_slice %arg6[%mul3A_2, %dma_wait3A] : memref<1024x512xf32, #tpu.memory_space<hbm>> -> memref<32x512xf32, #tpu.memory_space<hbm>>
      %dma_wait3A_373 = arith.constant 0 : i32
      %dma_wait3A_374 = tpu.memref_slice %arg6[%mul3A_2, %dma_wait3A_373] : memref<1024x512xf32, #tpu.memory_space<hbm>> -> memref<32x512xf32, #tpu.memory_space<hbm>>
      tpu.wait_dma2 semaphore(%run_scoped3A : memref<!tpu.dma_semaphore, #tpu.memory_space<semaphore_mem>>) src(%arg13 : memref<32x512xf32, #tpu.memory_space<vmem>>) dst(%dma_wait3A_374 : memref<32x512xf32, #tpu.memory_space<hbm>>)
      tpu.yield
    }) : () -> ()
    "tpu.region"() ({
      %run_scoped3A = tpu.sem_alloc : memref<!tpu.dma_semaphore, #tpu.memory_space<semaphore_mem>>
      %dma_start3A = arith.constant 0 : i32
      %dma_start3A_369 = tpu.memref_slice %arg7[%mul3A_2, %dma_start3A] : memref<1024x16xf32, #tpu.memory_space<hbm>> -> memref<32x16xf32, #tpu.memory_space<hbm>>
      %dma_start3A_370 = arith.constant 0 : i32
      %dma_start3A_371 = tpu.memref_slice %arg7[%mul3A_2, %dma_start3A_370] : memref<1024x16xf32, #tpu.memory_space<hbm>> -> memref<32x16xf32, #tpu.memory_space<hbm>>
      tpu.enqueue_dma source(%arg14 : memref<32x16xf32, #tpu.memory_space<vmem>>) target(%dma_start3A_371 : memref<32x16xf32, #tpu.memory_space<hbm>>) target_semaphore(%run_scoped3A : memref<!tpu.dma_semaphore, #tpu.memory_space<semaphore_mem>>)
      %dma_wait3A = arith.constant 0 : i32
      %dma_wait3A_372 = tpu.memref_slice %arg7[%mul3A_2, %dma_wait3A] : memref<1024x16xf32, #tpu.memory_space<hbm>> -> memref<32x16xf32, #tpu.memory_space<hbm>>
      %dma_wait3A_373 = arith.constant 0 : i32
      %dma_wait3A_374 = tpu.memref_slice %arg7[%mul3A_2, %dma_wait3A_373] : memref<1024x16xf32, #tpu.memory_space<hbm>> -> memref<32x16xf32, #tpu.memory_space<hbm>>
      tpu.wait_dma2 semaphore(%run_scoped3A : memref<!tpu.dma_semaphore, #tpu.memory_space<semaphore_mem>>) src(%arg14 : memref<32x16xf32, #tpu.memory_space<vmem>>) dst(%dma_wait3A_374 : memref<32x16xf32, #tpu.memory_space<hbm>>)
      tpu.yield
    }) : () -> ()
    return
  }
}

module attributes {stable_mosaic.version = 14 : i64} {
  func.func @_pre_kernel(%arg0: i32, %arg1: memref<1x1xf32, #tpu.memory_space<smem>>, %arg2: memref<1000x512xf32, #tpu.memory_space<vmem>>, %arg3: memref<1000x512xf32, #tpu.memory_space<vmem>>, %arg4: memref<512x1xf32, #tpu.memory_space<vmem>>, %arg5: memref<512x1xf32, #tpu.memory_space<vmem>>, %arg6: memref<1000x1xf32, #tpu.memory_space<vmem>>, %arg7: memref<1024x1xf32, #tpu.memory_space<vmem>>) attributes {dimension_semantics = [#tpu.dimension_semantics<arbitrary>], iteration_bounds = array<i64: 50>, scalar_prefetch = 0 : i64, scratch_operands = 0 : i64, tpu.core_type = #tpu.core_type<tc>, window_params = [{transform_indices = @transform_0, window_bounds = array<i64: 1, 1>}, {transform_indices = @transform_1, window_bounds = array<i64: 1000, 512>}, {pipeline_mode = #tpu.pipeline_mode<synchronous>, transform_indices = @transform_2, window_bounds = array<i64: 1000, 512>}, {pipeline_mode = #tpu.pipeline_mode<synchronous>, transform_indices = @transform_3, window_bounds = array<i64: 512, 1>}, {pipeline_mode = #tpu.pipeline_mode<synchronous>, transform_indices = @transform_4, window_bounds = array<i64: 512, 1>}, {transform_indices = @transform_5, window_bounds = array<i64: 1000, 1>}, {pipeline_mode = #tpu.pipeline_mode<synchronous>, transform_indices = @transform_6, window_bounds = array<i64: 1024, 1>}]} {
    %eq3A = arith.constant 0 : i32
    %eq3A_0 = arith.cmpi eq, %arg0, %eq3A : i32
    %convert_element_type3A = arith.extui %eq3A_0 : i1 to i32
    %cond3A = arith.constant 0 : i32
    %cond3A_1 = arith.cmpi ne, %convert_element_type3A, %cond3A : i32
    scf.if %cond3A_1 {
      %get3A_10 = arith.constant 0 : index
      %get3A_11 = arith.constant 0 : index
      %get3A_12 = vector.load %arg3[%get3A_10, %get3A_11] : memref<1000x512xf32, #tpu.memory_space<vmem>>, vector<1000x512xf32>
      %max3A = arith.constant 0.000000e+00 : f32
      %max3A_13 = vector.broadcast %max3A : f32 to vector<1000x512xf32>
      %max3A_14 = arith.maximumf %get3A_12, %max3A_13 : vector<1000x512xf32>
      %get3A_15 = arith.constant 0 : index
      %get3A_16 = arith.constant 0 : index
      %get3A_17 = vector.load %arg4[%get3A_15, %get3A_16] : memref<512x1xf32, #tpu.memory_space<vmem>>, vector<512x1xf32>
      %dot_general3A_18 = arith.constant dense<0.000000e+00> : vector<1000x1xf32>
      %dot_general3A_19 = tpu.matmul %max3A_14, %get3A_17, %dot_general3A_18 {dimension_numbers = #tpu.dot_dimension_numbers<[1], [0], [0], [1], [0, 0, 1, 1], [], []>, transpose_lhs_hint = false} : vector<1000x512xf32>, vector<512x1xf32>, vector<1000x1xf32> -> vector<1000x1xf32>
      %get3A_20 = arith.constant 0 : index
      %get3A_21 = arith.constant 0 : index
      %get3A_22 = memref.load %arg1[%get3A_20, %get3A_21] : memref<1x1xf32, #tpu.memory_space<smem>>
      %add3A = vector.broadcast %get3A_22 : f32 to vector<1000x1xf32>
      %add3A_23 = arith.addf %dot_general3A_19, %add3A : vector<1000x1xf32>
      %swap3A_24 = arith.constant 0 : index
      %swap3A_25 = arith.constant 0 : index
      %swap3A_26 = vector.load %arg7[%swap3A_24, %swap3A_25] : memref<1024x1xf32, #tpu.memory_space<vmem>>, vector<1000x1xf32>
      tpu.vector_store %arg7[%swap3A_24, %swap3A_25], %add3A_23 {strides = array<i32>} : memref<1024x1xf32, #tpu.memory_space<vmem>>, vector<1000x1xf32>,
      %broadcast_in_dim3A = arith.constant 0.000000e+00 : f32
      %broadcast_in_dim3A_27 = vector.broadcast %broadcast_in_dim3A : f32 to vector<24x1xf32>
      %swap3A_28 = arith.constant 1000 : index
      %swap3A_29 = arith.constant 0 : index
      %swap3A_30 = vector.load %arg7[%swap3A_28, %swap3A_29] : memref<1024x1xf32, #tpu.memory_space<vmem>>, vector<24x1xf32>
      tpu.vector_store %arg7[%swap3A_28, %swap3A_29], %broadcast_in_dim3A_27 {strides = array<i32>} : memref<1024x1xf32, #tpu.memory_space<vmem>>, vector<24x1xf32>,
    } else {
    }
    %get3A = arith.constant 0 : index
    %get3A_2 = arith.constant 0 : index
    %get3A_3 = vector.load %arg2[%get3A, %get3A_2] : memref<1000x512xf32, #tpu.memory_space<vmem>>, vector<1000x512xf32>
    %get3A_4 = arith.constant 0 : index
    %get3A_5 = arith.constant 0 : index
    %get3A_6 = vector.load %arg5[%get3A_4, %get3A_5] : memref<512x1xf32, #tpu.memory_space<vmem>>, vector<512x1xf32>
    %dot_general3A = arith.constant dense<0.000000e+00> : vector<1000x1xf32>
    %dot_general3A_7 = tpu.matmul %get3A_3, %get3A_6, %dot_general3A {dimension_numbers = #tpu.dot_dimension_numbers<[1], [0], [0], [1], [0, 0, 1, 1], [], []>, transpose_lhs_hint = false} : vector<1000x512xf32>, vector<512x1xf32>, vector<1000x1xf32> -> vector<1000x1xf32>
    %swap3A = arith.constant 0 : index
    %swap3A_8 = arith.constant 0 : index
    %swap3A_9 = vector.load %arg6[%swap3A, %swap3A_8] : memref<1000x1xf32, #tpu.memory_space<vmem>>, vector<1000x1xf32>
    tpu.vector_store %arg6[%swap3A, %swap3A_8], %dot_general3A_7 {strides = array<i32>} : memref<1000x1xf32, #tpu.memory_space<vmem>>, vector<1000x1xf32>,
    return
  }
  func.func @transform_0(%arg0: i32) -> (i32, i32) {
    %c0_i32 = arith.constant 0 : i32
    %c0_i32_0 = arith.constant 0 : i32
    %c0_i32_1 = arith.constant 0 : i32
    return %c0_i32, %c0_i32_0 : i32, i32
  }
  func.func @transform_1(%arg0: i32) -> (i32, i32) {
    %c0_i32 = arith.constant 0 : i32
    %c0_i32_0 = arith.constant 0 : i32
    return %arg0, %c0_i32 : i32, i32
  }
  func.func @transform_2(%arg0: i32) -> (i32, i32) {
    %c0_i32 = arith.constant 0 : i32
    %c0_i32_0 = arith.constant 0 : i32
    %c0_i32_1 = arith.constant 0 : i32
    return %c0_i32, %c0_i32_0 : i32, i32
  }
  func.func @transform_3(%arg0: i32) -> (i32, i32) {
    %c0_i32 = arith.constant 0 : i32
    %c0_i32_0 = arith.constant 0 : i32
    %c0_i32_1 = arith.constant 0 : i32
    return %c0_i32, %c0_i32_0 : i32, i32
  }
  func.func @transform_4(%arg0: i32) -> (i32, i32) {
    %c0_i32 = arith.constant 0 : i32
    %c0_i32_0 = arith.constant 0 : i32
    %c0_i32_1 = arith.constant 0 : i32
    return %c0_i32, %c0_i32_0 : i32, i32
  }
  func.func @transform_5(%arg0: i32) -> (i32, i32) {
    %c0_i32 = arith.constant 0 : i32
    %c0_i32_0 = arith.constant 0 : i32
    return %arg0, %c0_i32 : i32, i32
  }
  func.func @transform_6(%arg0: i32) -> (i32, i32) {
    %c0_i32 = arith.constant 0 : i32
    %c0_i32_0 = arith.constant 0 : i32
    %c0_i32_1 = arith.constant 0 : i32
    return %c0_i32, %c0_i32_0 : i32, i32
  }
}

module attributes {stable_mosaic.version = 14 : i64} {
  func.func @_final_kernel(%arg0: memref<1024x512xf32, #tpu.memory_space<vmem>>, %arg1: memref<1024x16xf32, #tpu.memory_space<vmem>>, %arg2: memref<512x512xf32, #tpu.memory_space<vmem>>, %arg3: memref<1x512xf32, #tpu.memory_space<vmem>>, %arg4: memref<1000x512xf32, #tpu.memory_space<vmem>>) attributes {dimension_semantics = [], scalar_prefetch = 0 : i64, scratch_operands = 0 : i64, tpu.core_type = #tpu.core_type<tc>} {
    %get3A = arith.constant 0 : index
    %get3A_0 = arith.constant 0 : index
    %get3A_1 = vector.load %arg1[%get3A, %get3A_0] : memref<1024x16xf32, #tpu.memory_space<vmem>>, vector<1024x16xf32>
    %reduce_sum3A = arith.constant dense<0.000000e+00> : vector<1024xf32>
    %reduce_sum3A_2 = vector.multi_reduction <add>, %get3A_1, %reduce_sum3A [1] : vector<1024x16xf32> to vector<1024xf32>
    %broadcast_in_dim3A = vector.shape_cast %reduce_sum3A_2 : vector<1024xf32> to vector<1024x1xf32>
    %gt3A = arith.constant 0.000000e+00 : f32
    %gt3A_3 = vector.broadcast %gt3A : f32 to vector<1024x1xf32>
    %gt3A_4 = arith.cmpf ogt, %broadcast_in_dim3A, %gt3A_3 : vector<1024x1xf32>
    %jit3A = arith.constant 1.000000e+00 : f32
    %broadcast_in_dim3A_5 = vector.broadcast %jit3A : f32 to vector<1024x1xf32>
    %select_n3A = arith.select %gt3A_4, %broadcast_in_dim3A, %broadcast_in_dim3A_5 : vector<1024x1xi1>, vector<1024x1xf32>
    %get3A_6 = arith.constant 0 : index
    %get3A_7 = arith.constant 0 : index
    %get3A_8 = vector.load %arg0[%get3A_6, %get3A_7] : memref<1024x512xf32, #tpu.memory_space<vmem>>, vector<1024x512xf32>
    %div3A = vector.broadcast %select_n3A : vector<1024x1xf32> to vector<1024x512xf32>
    %div3A_9 = arith.divf %get3A_8, %div3A : vector<1024x512xf32>
    %get3A_10 = arith.constant 0 : index
    %get3A_11 = arith.constant 0 : index
    %get3A_12 = vector.load %arg2[%get3A_10, %get3A_11] : memref<512x512xf32, #tpu.memory_space<vmem>>, vector<512x512xf32>
    %dot_general3A = arith.constant dense<0.000000e+00> : vector<1024x512xf32>
    %dot_general3A_13 = tpu.matmul %div3A_9, %get3A_12, %dot_general3A {dimension_numbers = #tpu.dot_dimension_numbers<[1], [0], [0], [1], [0, 0, 1, 1], [], []>, transpose_lhs_hint = false} : vector<1024x512xf32>, vector<512x512xf32>, vector<1024x512xf32> -> vector<1024x512xf32>
    %gt3A_14 = arith.constant 0.000000e+00 : f32
    %gt3A_15 = vector.broadcast %gt3A_14 : f32 to vector<1024x1xf32>
    %gt3A_16 = arith.cmpf ogt, %broadcast_in_dim3A, %gt3A_15 : vector<1024x1xf32>
    %jit3A_17 = arith.constant 1.000000e+00 : f32
    %jit3A_18 = arith.constant 0.000000e+00 : f32
    %broadcast_in_dim3A_19 = vector.broadcast %jit3A_17 : f32 to vector<1024x1xf32>
    %broadcast_in_dim3A_20 = vector.broadcast %jit3A_18 : f32 to vector<1024x1xf32>
    %select_n3A_21 = arith.select %gt3A_16, %broadcast_in_dim3A_19, %broadcast_in_dim3A_20 : vector<1024x1xi1>, vector<1024x1xf32>
    %get3A_22 = arith.constant 0 : index
    %get3A_23 = arith.constant 0 : index
    %get3A_24 = vector.load %arg3[%get3A_22, %get3A_23] : memref<1x512xf32, #tpu.memory_space<vmem>>, vector<1x512xf32>
    %mul3A = vector.broadcast %select_n3A_21 : vector<1024x1xf32> to vector<1024x512xf32>
    %mul3A_25 = vector.broadcast %get3A_24 : vector<1x512xf32> to vector<1024x512xf32>
    %mul3A_26 = arith.mulf %mul3A, %mul3A_25 : vector<1024x512xf32>
    %add3A = arith.addf %dot_general3A_13, %mul3A_26 : vector<1024x512xf32>
    %slice3A = vector.extract_strided_slice %add3A {offsets = [0, 0], sizes = [1000, 512], strides = [1, 1]} : vector<1024x512xf32> to vector<1000x512xf32>
    %swap3A = arith.constant 0 : index
    %swap3A_27 = arith.constant 0 : index
    %swap3A_28 = vector.load %arg4[%swap3A, %swap3A_27] : memref<1000x512xf32, #tpu.memory_space<vmem>>, vector<1000x512xf32>
    tpu.vector_store %arg4[%swap3A, %swap3A_27], %slice3A {strides = array<i32>} : memref<1000x512xf32, #tpu.memory_space<vmem>>, vector<1000x512xf32>,
    return
  }
}

</mosaic_0001>

<sc_bundles>
// kernel: kernel.5.cloned.1.call-start
scs
__scs_entry_jumppad:
0x0: {  	(pc) =	sbr.rel $0x88, $3  }
0x1: {  	(tag) =	ssettag $0x0;
	lr =	simm.s32 $0x1  }
0x2: {  	[smem:$0x3F9A] =	sst lr;
	_ =	strace $0xD0000000  }
0x3: {  	_ = 	snop  }
0x4: {  	_ = 	snop  }
0x5: {  	_ = 	snop  }
0x6: {  	_ = 	snop  }
0x7: {  	_ = 	snop  }
__scs_overlays_trampoline_lowered:
0x8: {  	[smem:$0x3FA9] =	sst s0  }
0x9: {  	[smem:$0x3FAA] =	sst s1  }
0xa: {  	[smem:$0x3FAB] =	sst s2  }
0xb: {  	[smem:$0x3FAC] =	sst s3  }
0xc: {  	[smem:$0x3FAD] =	sst s4  }
0xd: {  	[smem:$0x3FAE] =	sst s5  }
0xe: {  	[smem:$0x3FAF] =	sst s6  }
0xf: {  	[smem:$0x3FB0] =	sst s7  }
0x10: {  	[smem:$0x3FB1] =	sst s8  }
0x11: {  	[smem:$0x3FB2] =	sst s9;
	s0 =	simm.s32 @!p0 $0x0  }
0x12: {  	s1 =	sld [smem:$0x3F98];
	s0 =	simm.s32 @p0 $0x1  }
0x13: {  	[smem:$0x3FB3] =	sst s0;
	s0 =	simm.s32 @!p1 $0x0  }
0x14: {  	s2 =	sld [smem:$0x3F97];
	s0 =	simm.s32 @p1 $0x1  }
0x15: {  	[smem:$0x3FB4] =	sst s0;
	s0 =	simm.s32 @!p2 $0x0  }
0x16: {  	s3 =	sld [smem:$0x3FDB];
	s0 =	simm.s32 @p2 $0x1  }
0x17: {  	s4 =	simm.s32 $0x1BF5;
	[smem:$0x3FB6] =	sst s0  }
0x18: {  	s0 =	sld [smem:$0x3F99];
	_ =	swait.ge [sflag:s4], $0x0  }
0x19: {  	s7 =	sld [smem:$0x3F9A]  }
0x1a: {  	s8 =	sadd.s32 $0xFFFFE003, lr  }
0x1b: {  	s9 =	sadd.s32 $0xFFFFFEF7, lr;
	s5 =	simm.s32 $0xFFFFFFFF;
	p2 =	slt.u32 s8, $0xFFFFF086  }
0x1c: {  	p1 =	slt.u32 s9, $0xF7A;
	s5 =	simm.s32 @!p2 $0x0  }
0x1d: {  	s5 =	simm.s32 @p1 $0x1;
	p0 =	seq.s32 s7, s2  }
0x1e: {  	s7 =	smul.u32 @!p0 $0xF7A, s2;
	p2 =	seq.s32 @!p0 s5, $0x0  }
0x1f: {  	s9 =	smul.u32 $0xF7A, s1;
	s8 =	simm.s32 @!p0 $0x1BF5;
	p2 =	por !p2, p0  }
0x20: {  	[sflag:s8] =	ssyncset.s32 @!p0 $0xFFFFF086;
	s6 =	sadd.s32 @!p0 s3, s7;
	s7 =	simm.s32 @!p0 $0x108  }
0x21: {  	s3 =	sadd.s32 s3, s9;
	s6 =	sadd.s32 @!p0 $0x88, s6;
	s7 =	simm.s32 @p2 $0x1082  }
0x22: {  	[simem:s7], [sflag:s8] =	dma.local @!p0 [hbm:s6], $0xF7A  }
0x23: {  	s9 =	sor.u32 $0xD0000000, s2;
	s6 =	simm.s32 $0x108;
	_ =	swait.ge @!p0 [sflag:s8], $0x0  }
0x24: {  	s3 =	sadd.s32 $0x88, s3;
	s6 =	simm.s32 @!p1 $0x1082;
	[sflag:s4] =	ssyncset.s32 $0xFFFFF086  }
0x25: {  	[simem:s6], [sflag:s4] =	dma.local [hbm:s3], $0xF7A  }
0x26: {  	[smem:$0x3F9A] =	sst s1;
	(tag) =	ssettag s2;
	_ =	strace s9  }
0x27: {  	s1 =	sld [smem:$0x3FAA]  }
0x28: {  	s2 =	sld [smem:$0x3FAB]  }
0x29: {  	s4 =	sld [smem:$0x3FAD]  }
0x2a: {  	p0 =	seq.s32 s5, $0x0;
	s5 =	sld [smem:$0x3FAE]  }
0x2b: {  	s6 =	sld [smem:$0x3FAF]  }
0x2c: {  	s7 =	sld [smem:$0x3FB0]  }
0x2d: {  	s3 =	simm.s32 $0x108;
	s8 =	sld [smem:$0x3FB1]  }
0x2e: {  	s3 =	simm.s32 @!p0 $0x1082;
	s9 =	sld [smem:$0x3FB2]  }
0x2f: {  	lr =	sadd.s32 s0, s3;
	s0 =	sld [smem:$0x3FA9]  }
0x30: {  	s3 =	sld [smem:$0x3FAC]  }
0x31: {  	[smem:$0x3FB5] =	sst s10  }
0x32: {  	s10 =	sld [smem:$0x3FB3];
	_ =	sdelay $0x3  }
0x33: {  	p0 =	seq.s32 s10, $0x1;
	s10 =	sld [smem:$0x3FB5];
	_ =	sdelay $0x3  }
0x34: {  	[smem:$0x3FB5] =	sst s10  }
0x35: {  	s10 =	sld [smem:$0x3FB4];
	_ =	sdelay $0x3  }
0x36: {  	p1 =	seq.s32 s10, $0x1;
	s10 =	sld [smem:$0x3FB5];
	_ =	sdelay $0x3  }
0x37: {  	[smem:$0x3FB5] =	sst s10  }
0x38: {  	s10 =	sld [smem:$0x3FB6]  }
0x39: {  	_ = 	snop;
	(pc) =	sbr.ind lr, $3  }
0x3a: {  	_ = 	snop  }
0x3b: {  	_ = 	snop  }
0x3c: {  	p2 =	seq.s32 s10, $0x1;
	s10 =	sld [smem:$0x3FB5]  }
0x3d: {  	_ =	shalt  }
0x3e: {  	_ =	shalt  }
0x3f: {  	_ =	shalt  }
0x40: {  	_ =	shalt  }
0x41: {  	_ =	shalt  }
0x42: {  	_ =	shalt  }
0x43: {  	_ =	shalt  }
0x44: {  	_ =	shalt  }
0x45: {  	_ =	shalt  }
0x46: {  	_ =	shalt  }
0x47: {  	_ =	shalt  }
0x48: {  	_ =	shalt  }
0x49: {  	_ =	shalt  }
0x4a: {  	_ =	shalt  }
0x4b: {  	_ =	shalt  }
0x4c: {  	_ =	shalt  }
0x4d: {  	_ =	shalt  }
0x4e: {  	_ =	shalt  }
0x4f: {  	_ =	shalt  }
0x50: {  	_ =	shalt  }
0x51: {  	_ =	shalt  }
0x52: {  	_ =	shalt  }
0x53: {  	_ =	shalt  }
0x54: {  	_ =	shalt  }
0x55: {  	_ =	shalt  }
0x56: {  	_ =	shalt  }
0x57: {  	_ =	shalt  }
0x58: {  	_ =	shalt  }
0x59: {  	_ =	shalt  }
0x5a: {  	_ =	shalt  }
0x5b: {  	_ =	shalt  }
0x5c: {  	_ =	shalt  }
0x5d: {  	_ =	shalt  }
0x5e: {  	_ =	shalt  }
0x5f: {  	_ =	shalt  }
0x60: {  	_ =	shalt  }
0x61: {  	_ =	shalt  }
0x62: {  	_ =	shalt  }
0x63: {  	_ =	shalt  }
0x64: {  	_ =	shalt  }
0x65: {  	_ =	shalt  }
0x66: {  	_ =	shalt  }
0x67: {  	_ =	shalt  }
0x68: {  	_ =	shalt  }
0x69: {  	_ =	shalt  }
0x6a: {  	_ =	shalt  }
0x6b: {  	_ =	shalt  }
0x6c: {  	_ =	shalt  }
0x6d: {  	_ =	shalt  }
0x6e: {  	_ =	shalt  }
0x6f: {  	_ =	shalt  }
0x70: {  	_ =	shalt  }
0x71: {  	_ =	shalt  }
0x72: {  	_ =	shalt  }
0x73: {  	_ =	shalt  }
0x74: {  	_ =	shalt  }
0x75: {  	_ =	shalt  }
0x76: {  	_ =	shalt  }
0x77: {  	_ =	shalt  }
0x78: {  	_ =	shalt  }
0x79: {  	_ =	shalt  }
0x7a: {  	_ =	shalt  }
0x7b: {  	_ =	shalt  }
0x7c: {  	_ =	shalt  }
0x7d: {  	_ =	shalt  }
0x7e: {  	_ =	shalt  }
0x7f: {  	_ =	shalt  }
0x80: {  	_ =	shalt  }
0x81: {  	_ =	shalt  }
0x82: {  	_ =	shalt  }
0x83: {  	_ =	shalt  }
0x84: {  	_ =	shalt  }
0x85: {  	_ =	shalt  }
0x86: {  	_ =	shalt  }
0x87: {  	_ =	shalt  }
.Lfunc_end0:
.L_simem_size_0:
called_computation_lowered:
.L_overlay_start_0:
0x88: {  	s2 =	sld [smem:$0x3FD9]  }
0x89: {  	s3 =	sld [smem:$0x3FFE];
	_ =	sdelay $0x1  }
0x8a: {  	s1 =	srdreg.scid  }
0x8b: {  	s0 =	sand.u32 $0x1, s1  }
0x8c: {  	s17 =	sshll.u32 s0, $0xA;
	s2 =	sadd.s32 s3, s2  }
0x8d: {  	s2 =	sadd.s32 s2, s17  }
0x8e: {  	[smem:$0x3FC1] =	sst s2  }
0x8f: {  	_ = 	snop  }
0x90: {  	s2 =	sld [smem:$0x3FC9]  }
0x91: {  	s18 =	sld [smem:$0x3FC7]  }
0x92: {  	s4 =	sld [smem:$0x3FD0];
	(tm) =	ssettm $0x1  }
0x93: {  	s5 =	sld [smem:$0x3FFB];
	_ =	sdelay $0x3  }
0x94: {  	_ =	strace s5  }
0x95: {  	s5 =	sld [smem:$0x3FFC];
	_ =	sdelay $0x3  }
0x96: {  	_ =	strace s5  }
0x97: {  	s5 =	sld [smem:$0x3FFD];
	_ =	sdelay $0x3  }
0x98: {  	_ =	strace s5  }
0x99: {  	_ =	strace $0x8FFFFFFF  }
0x9a: {  	s19 =	sld [smem:$0x3FDB];
	_ =	sdelay $0x1  }
0x9b: {  	s6 =	simm.s32 $_scs_section_size  }
0x9c: {  	s7 =	simm.s32 $_size__tile_overlayer_lowered;
	s8 =	simm.s32 $_tile_overlayer_lowered  }
0x9d: {  	s22 =	simm.s32 $0x1BFF;
	s21 =	sshll.u32 s8, $0x1;
	s5 =	sadd.s32 s6, s19  }
0x9e: {  	s9 =	simm.s32 $0x0;
	s20 =	sshll.u32 s7, $0x1;
	s7 =	sadd.s32 s21, s5  }
0x9f: {  	[timem:s9], [sflag:s22] =	dma.local [hbm:s7], s20  }
0xa0: {  	_ =	swait.ge [sflag:s22], s20  }
0xa1: {  	s6 =	ssub.s32 $0x0, s20;
	[sflag:s22] =	ssyncset.done $0x0  }
0xa2: {  	[sflag:s22] =	ssyncadd.s32 s6;
	_ =	sdelay $0x1  }
0xa3: {  	s23 =	simm.s32 $0x1B8B  }
0xa4: {  	_ =	swait.ge [sflag:s23], $0x1  }
0xa5: {  	[sflag:s23] =	ssyncset.done $0x0  }
0xa6: {  	s25 =	simm.s32 $0x1B8E;
	s24 =	sld [smem:$0x3FFE];
	[sflag:s23] =	ssyncadd.s32 $0xFFFFFFFF  }
0xa7: {  	s26 =	simm.s32 $execute0_lowered;
	[smem:$0x3FD2] =	sst s25  }
0xa8: {  	s7 =	sshll.u32 s26, $0x1;
	_ =	strace $0x80000046;
	[dreg:$0x1] =	wrdreg $0xFFFFFFFF  }
0xa9: {  	s28 =	simm.s32 $_size_execute0_lowered;
	s5 =	sadd.s32 s5, s7;
	[dreg:$0x0] =	wrdreg $0x0  }
0xaa: {  	s7 =	sshll.u32 s28, $0x1;
	[dreg:$0x2] =	wrdreg s5  }
0xab: {  	[dreg:$0x3] =	wrdreg s7  }
0xac: {  	[dreg:$0x4] =	wrdreg $0xC0  }
0xad: {  	_ =	task [dreg:s9], $0x5FFFF  }
0xae: {  	[dreg:$0x1] =	wrdreg $0xFFFFFFFF  }
0xaf: {  	[dreg:$0x0] =	wrdreg $0x60  }
0xb0: {  	[dreg:$0x2] =	wrdreg s2  }
0xb1: {  	[dreg:$0x3] =	wrdreg s18  }
0xb2: {  	[dreg:$0x4] =	wrdreg s24  }
0xb3: {  	[dreg:$0x5] =	wrdreg s4  }
0xb4: {  	[dreg:$0x6] =	wrdreg $0x9  }
0xb5: {  	_ =	task.clear_ibuf [dreg:s9], $0x7FFFF;
	_ =	strace $0x90000046  }
0xb6: {  	s29 =	simm.s32 $0x9;
	_ =	strace $0x80000048  }
0xb7: {  	_ =	swait.ge [sflag:s29], $0x1  }
0xb8: {  	[sflag:s29] =	ssyncadd.s32 $0xFFFFFFFF  }
0xb9: {  	_ =	strace $0x90000048  }
0xba: {  	_ =	sfence  }
0xbb: {  	s30 =	sld [smem:$0x0];
	_ =	sdelay $0x2  }
0xbc: {  	s31 =	sshll.u32 s1, $0xD;
	s1 =	sshrl.u32 s1, $0x2  }
0xbd: {  	s3 =	sand.u32 $0x4000, s31;
	s1 =	sadd.s32 s1, s30  }
0xbe: {  	s0 =	sor.u32 s3, s0;
	s1 =	sshll.u32 s1, $0x11  }
0xbf: {  	s0 =	sor.u32 s1, s0  }
0xc0: {  	s0 =	sadd.s32 $0x8F2B, s0  }
0xc1: {  	[sflag:s0] =	ssyncadd.remote.s32 $0x1  }
0xc2: {  	_ =	sfence.sel $0xFFFF  }
0xc3: {  	[dreg:$0x0] =	wrdreg $0xFFFFFFFF;
	(pc) =	sbr.abs _section_cstart, $3  }
0xc4: {  	[dreg:$0x1] =	wrdreg $0xFFFFFFFF  }
0xc5: {  	_ =	task.clear_ibuf [dreg:s9], $0x2FFFF;
	_ =	strace $0x9FFFFFFF  }
0xc6: {  	(tm) =	ssettm $0x7FFFFFFF  }
0xc7: {  	_ =	shalt  }
tec
execute0_lowered:
.L_overlay_start_1:
0x0: {  	(tag) =	ssettag $0x1  }
0x1: {  	s1 =	rddreg [dreg:$0x0]  }
0x2: {  	s2 =	rddreg [dreg:$0x1]  }
0x3: {  	s8 =	rddreg [dreg:$0x2]  }
0x4: {  	s9 =	rddreg [dreg:$0x3]  }
0x5: {  	s0 =	rddreg [dreg:$0x4];
	s4 =	simm.s32 $0x0;
	s5 =	srdreg.scid  }
0x6: {  	s3 =	stileid.u32;
	s15 =	simm.s32 $0x18800;
	s13 =	simm.s32 $0xC800  }
0x7: {  	s14 =	simm.s32 $0xC380;
	s16 =	simm.s32 $0x1C880;
	s17 =	simm.s32 $0x0  }
0x8: {  	[smem:$0x7FF] =	sst s4;
	s7 =	sand.u32 $0x1, s5;
	s10 =	sshll.u32 s3, $0x5  }
0x9: {  	s5 =	sadd.s32 $0xC4200, s8;
	_ =	strace $0x80000047;
	s6 =	sshll.u32 s7, $0x9  }
0xa: {  	s30 =	ssub.s32 $0x2, s7;
	s7 =	sadd.s32 $0xC00, s8;
	[dreg:$0x5] =	wrdreg s15  }
0xb: {  	s15 =	simm.s32 $0x18880;
	s6 =	sor.u32 s10, s6;
	s12 =	sshrl.u32 s30, $0x1  }
0xc: {  	s11 =	sshll.u32 s6, $0x6;
	s10 =	ssub.s32 s30, s12;
	s31 =	sshll.u32 s6, $0x4  }
0xd: {  	s12 =	simm.s32 $0xC400;
	s8 =	sadd.s32 s11, s8;
	s9 =	sadd.s32 s9, s31  }
0xe: {  	v0 =	vimm.s32 $0x7FFF;
	v1 =	vlaneseq.u32;
	v2 =	vimm.s32 $0x0;
	s10 =	smax.u32 s10, $0x1;
	s11 =	simm.s32 $0x1;
	s8 =	sadd.s32 $0xE00, s8  }
.LBB2_1:
0xf: {  	[tilespmem:s4], [sflag:$0x1] =	stream.linear.gather [hbm4b:s2+s4], $0xC380, $0x38;
	[tilespmem:$0x1D880] =	vst v63  }
0x10: {  	_ =	swait.ge [sflag:s11], $0xC380  }
0x11: {  	[sflag:s11] =	ssyncset.done $0x0  }
0x12: {  	[sflag:s11] =	ssyncadd.s32 $0xFFFF3C80  }
0x13: {  	[tilespmem:s12], [sflag:$0x1] =	stream.linear.gather [hbm4b:s7+s4], $0x400, $0x38;
	[tilespmem:$0x1D880] =	vst v63  }
0x14: {  	_ =	swait.ge [sflag:s11], $0x400  }
0x15: {  	[sflag:s11] =	ssyncset.done $0x0  }
0x16: {  	[sflag:s11] =	ssyncadd.s32 $0xFFFFFC00  }
0x17: {  	v3 =	vld.idx.msk [tilespmem:v0+s4+$0x0], $0xffff;
	_ =	sdelay $0x4  }
0x18: {  	v3 =	vxor.u32 $0x80000000, v3  }
0x19: {  	(xrf0) =	vmax.scan.msk.u32 $0xffff, v3;
	_ =	sdelay $0x5  }
0x1a: {  	v3, _, _ =	vpop (xrf0)  }
0x1b: {  	(v2sf) =	vpush v3, $0xF;
	_ =	sdelay $0xe  }
0x1c: {  	s18 =	spop (v2sf)  }
0x1d: {  	s18 =	sxor.u32 $0x80000000, s18  }
0x1e: {  	p0 =	slt.s32 s18, s6;
	s18 =	simm.s32 $0x8000  }
0x1f: {  	s18 =	simm.s32 @!p0 $0x0  }
0x20: {  	s19 =	sor.u32 $0x3F80, s18  }
0x21: {  	v3 =	vmov s19  }
0x22: {  	v3 =	vor.u32 $0x7F, v3  }
0x23: {  	v3 =	vbroadcast v3, $0x0;
	_ =	sdelay $0x5  }
0x24: {  	v3 =	vld.idx.msk [tilespmem:v3+s4+$0x0], $0xffff;
	_ =	sdelay $0x4  }
0x25: {  	v3 =	vxor.u32 $0x80000000, v3  }
0x26: {  	(xrf0) =	vmax.scan.msk.u32 $0xffff, v3;
	_ =	sdelay $0x5  }
0x27: {  	v3, _, _ =	vpop (xrf0)  }
0x28: {  	(v2sf) =	vpush v3, $0xF;
	_ =	sdelay $0xe  }
0x29: {  	s22 =	spop (v2sf)  }
0x2a: {  	s19 =	sxor.u32 $0x80000000, s22  }
0x2b: {  	s20 =	sor.u32 $0x4000, s18;
	p0 =	slt.s32 s19, s6  }
0x2c: {  	s18 =	smov.u32 @p0 s20  }
0x2d: {  	s23 =	sor.u32 $0x1FFF, s18  }
0x2e: {  	s19 =	smin.u32 s23, $0xC34F  }
0x2f: {  	v3 =	vmov s19;
	_ =	sdelay $0x4  }
0x30: {  	v3 =	vld.idx.msk [tilespmem:v3+s4+$0x0], $0xffff;
	_ =	sdelay $0x4  }
0x31: {  	v3 =	vxor.u32 $0x80000000, v3  }
0x32: {  	(xrf0) =	vmax.scan.msk.u32 $0xffff, v3;
	_ =	sdelay $0x5  }
0x33: {  	v3, _, _ =	vpop (xrf0)  }
0x34: {  	(v2sf) =	vpush v3, $0xF;
	_ =	sdelay $0xe  }
0x35: {  	s19 =	sor.u32 $0x2000, s18;
	s24 =	spop (v2sf)  }
0x36: {  	s21 =	smov.u32 s18;
	p0 =	slt.u32 s19, $0xC351;
	s20 =	sxor.u32 $0x80000000, s24  }
0x37: {  	s21 =	smov.u32 @p0 s19;
	p1 =	slt.s32 s20, s6  }
0x38: {  	s18 =	smov.u32 @p1 s21  }
0x39: {  	s25 =	sor.u32 $0xFFF, s18  }
0x3a: {  	s19 =	smin.u32 s25, $0xC34F  }
0x3b: {  	v3 =	vmov s19;
	_ =	sdelay $0x4  }
0x3c: {  	v3 =	vld.idx.msk [tilespmem:v3+s4+$0x0], $0xffff;
	_ =	sdelay $0x4  }
0x3d: {  	v3 =	vxor.u32 $0x80000000, v3  }
0x3e: {  	(xrf0) =	vmax.scan.msk.u32 $0xffff, v3;
	_ =	sdelay $0x5  }
0x3f: {  	v3, _, _ =	vpop (xrf0)  }
0x40: {  	(v2sf) =	vpush v3, $0xF;
	_ =	sdelay $0xe  }
0x41: {  	s19 =	sor.u32 $0x1000, s18;
	s26 =	spop (v2sf)  }
0x42: {  	s21 =	smov.u32 s18;
	p0 =	slt.u32 s19, $0xC351;
	s20 =	sxor.u32 $0x80000000, s26  }
0x43: {  	s21 =	smov.u32 @p0 s19;
	p1 =	slt.s32 s20, s6  }
0x44: {  	s18 =	smov.u32 @p1 s21  }
0x45: {  	s28 =	smin.u32 s18, $0xBB50  }
0x46: {  	s19 =	sadd.s32 $0x7FF, s28  }
0x47: {  	v3 =	vmov s19;
	_ =	sdelay $0x4  }
0x48: {  	v3 =	vld.idx.msk [tilespmem:v3+s4+$0x0], $0xffff;
	_ =	sdelay $0x4  }
0x49: {  	v3 =	vxor.u32 $0x80000000, v3  }
0x4a: {  	(xrf0) =	vmax.scan.msk.u32 $0xffff, v3;
	_ =	sdelay $0x5  }
0x4b: {  	v3, _, _ =	vpop (xrf0)  }
0x4c: {  	(v2sf) =	vpush v3, $0xF;
	_ =	sdelay $0xe  }
0x4d: {  	s20 =	sadd.s32 $0x800, s18;
	s29 =	spop (v2sf)  }
0x4e: {  	p0 =	slt.u32 s18, $0xBB51;
	s21 =	smov.u32 s18;
	s19 =	sxor.u32 $0x80000000, s29  }
0x4f: {  	s21 =	smov.u32 @p0 s20;
	p1 =	slt.s32 s19, s6  }
0x50: {  	s18 =	smov.u32 @p1 s21  }
0x51: {  	s30 =	smin.u32 s18, $0xBF50  }
0x52: {  	s19 =	sadd.s32 $0x3FF, s30  }
0x53: {  	v3 =	vmov s19;
	_ =	sdelay $0x4  }
0x54: {  	v3 =	vld.idx.msk [tilespmem:v3+s4+$0x0], $0xffff;
	_ =	sdelay $0x4  }
0x55: {  	v3 =	vxor.u32 $0x80000000, v3  }
0x56: {  	(xrf0) =	vmax.scan.msk.u32 $0xffff, v3;
	_ =	sdelay $0x5  }
0x57: {  	v3, _, _ =	vpop (xrf0)  }
0x58: {  	(v2sf) =	vpush v3, $0xF;
	_ =	sdelay $0xe  }
0x59: {  	s20 =	sadd.s32 $0x400, s18;
	s31 =	spop (v2sf)  }
0x5a: {  	p0 =	slt.u32 s18, $0xBF51;
	s21 =	smov.u32 s18;
	s19 =	sxor.u32 $0x80000000, s31  }
0x5b: {  	s21 =	smov.u32 @p0 s20;
	p1 =	slt.s32 s19, s6  }
0x5c: {  	s18 =	smov.u32 @p1 s21  }
0x5d: {  	s21 =	smin.u32 s18, $0xC150  }
0x5e: {  	s19 =	sadd.s32 $0x1FF, s21  }
0x5f: {  	v3 =	vmov s19;
	_ =	sdelay $0x4  }
0x60: {  	v3 =	vld.idx.msk [tilespmem:v3+s4+$0x0], $0xffff;
	_ =	sdelay $0x4  }
0x61: {  	v3 =	vxor.u32 $0x80000000, v3  }
0x62: {  	(xrf0) =	vmax.scan.msk.u32 $0xffff, v3;
	_ =	sdelay $0x5  }
0x63: {  	v3, _, _ =	vpop (xrf0)  }
0x64: {  	(v2sf) =	vpush v3, $0xF;
	_ =	sdelay $0xe  }
0x65: {  	s20 =	sadd.s32 $0x200, s18;
	s22 =	spop (v2sf)  }
0x66: {  	p0 =	slt.u32 s18, $0xC151;
	s21 =	smov.u32 s18;
	s19 =	sxor.u32 $0x80000000, s22  }
0x67: {  	s21 =	smov.u32 @p0 s20;
	p1 =	slt.s32 s19, s6  }
0x68: {  	s18 =	smov.u32 @p1 s21  }
0x69: {  	s23 =	smin.u32 s18, $0xC250  }
0x6a: {  	s19 =	sadd.s32 $0xFF, s23  }
0x6b: {  	v3 =	vmov s19;
	_ =	sdelay $0x4  }
0x6c: {  	v3 =	vld.idx.msk [tilespmem:v3+s4+$0x0], $0xffff;
	_ =	sdelay $0x4  }
0x6d: {  	v3 =	vxor.u32 $0x80000000, v3  }
0x6e: {  	(xrf0) =	vmax.scan.msk.u32 $0xffff, v3;
	_ =	sdelay $0x5  }
0x6f: {  	v3, _, _ =	vpop (xrf0)  }
0x70: {  	(v2sf) =	vpush v3, $0xF;
	_ =	sdelay $0xe  }
0x71: {  	s20 =	sadd.s32 $0x100, s18;
	s24 =	spop (v2sf)  }
0x72: {  	p0 =	slt.u32 s18, $0xC251;
	s21 =	smov.u32 s18;
	s19 =	sxor.u32 $0x80000000, s24  }
0x73: {  	s21 =	smov.u32 @p0 s20;
	p1 =	slt.s32 s19, s6  }
0x74: {  	s18 =	smov.u32 @p1 s21  }
0x75: {  	s25 =	smin.u32 s18, $0xC2D0  }
0x76: {  	s19 =	sadd.s32 $0x7F, s25  }
0x77: {  	v3 =	vmov s19;
	_ =	sdelay $0x4  }
0x78: {  	v3 =	vld.idx.msk [tilespmem:v3+s4+$0x0], $0xffff;
	_ =	sdelay $0x4  }
0x79: {  	v3 =	vxor.u32 $0x80000000, v3  }
0x7a: {  	(xrf0) =	vmax.scan.msk.u32 $0xffff, v3;
	_ =	sdelay $0x5  }
0x7b: {  	v3, _, _ =	vpop (xrf0)  }
0x7c: {  	(v2sf) =	vpush v3, $0xF;
	_ =	sdelay $0xe  }
0x7d: {  	s20 =	sadd.s32 $0x80, s18;
	s26 =	spop (v2sf)  }
0x7e: {  	p0 =	slt.u32 s18, $0xC2D1;
	s21 =	smov.u32 s18;
	s19 =	sxor.u32 $0x80000000, s26  }
0x7f: {  	s21 =	smov.u32 @p0 s20;
	p1 =	slt.s32 s19, s6  }
0x80: {  	s18 =	smov.u32 @p1 s21  }
0x81: {  	s28 =	smin.u32 s18, $0xC310  }
0x82: {  	s19 =	sadd.s32 $0x3F, s28  }
0x83: {  	v3 =	vmov s19;
	_ =	sdelay $0x4  }
0x84: {  	v3 =	vld.idx.msk [tilespmem:v3+s4+$0x0], $0xffff;
	_ =	sdelay $0x4  }
0x85: {  	v3 =	vxor.u32 $0x80000000, v3  }
0x86: {  	(xrf0) =	vmax.scan.msk.u32 $0xffff, v3;
	_ =	sdelay $0x5  }
0x87: {  	v3, _, _ =	vpop (xrf0)  }
0x88: {  	(v2sf) =	vpush v3, $0xF;
	_ =	sdelay $0xe  }
0x89: {  	s20 =	sadd.s32 $0x40, s18;
	s29 =	spop (v2sf)  }
0x8a: {  	p0 =	slt.u32 s18, $0xC311;
	s21 =	smov.u32 s18;
	s19 =	sxor.u32 $0x80000000, s29  }
0x8b: {  	s21 =	smov.u32 @p0 s20;
	p1 =	slt.s32 s19, s6  }
0x8c: {  	s18 =	smov.u32 @p1 s21  }
0x8d: {  	s30 =	smin.u32 s18, $0xC330  }
0x8e: {  	s19 =	sadd.s32 $0x1F, s30  }
0x8f: {  	v3 =	vmov s19;
	_ =	sdelay $0x4  }
0x90: {  	v3 =	vld.idx.msk [tilespmem:v3+s4+$0x0], $0xffff;
	_ =	sdelay $0x4  }
0x91: {  	v3 =	vxor.u32 $0x80000000, v3  }
0x92: {  	(xrf0) =	vmax.scan.msk.u32 $0xffff, v3;
	_ =	sdelay $0x5  }
0x93: {  	v3, _, _ =	vpop (xrf0)  }
0x94: {  	(v2sf) =	vpush v3, $0xF;
	_ =	sdelay $0xe  }
0x95: {  	s20 =	sadd.s32 $0x20, s18;
	s31 =	spop (v2sf)  }
0x96: {  	p0 =	slt.u32 s18, $0xC331;
	s21 =	smov.u32 s18;
	s19 =	sxor.u32 $0x80000000, s31  }
0x97: {  	s21 =	smov.u32 @p0 s20;
	p1 =	slt.s32 s19, s6  }
0x98: {  	s18 =	smov.u32 @p1 s21  }
0x99: {  	s21 =	smin.u32 s18, $0xC340  }
0x9a: {  	s19 =	sadd.s32 $0xF, s21  }
0x9b: {  	v3 =	vmov s19;
	_ =	sdelay $0x4  }
0x9c: {  	v3 =	vld.idx.msk [tilespmem:v3+s4+$0x0], $0xffff;
	_ =	sdelay $0x4  }
0x9d: {  	v3 =	vxor.u32 $0x80000000, v3  }
0x9e: {  	(xrf0) =	vmax.scan.msk.u32 $0xffff, v3;
	_ =	sdelay $0x5  }
0x9f: {  	v3, _, _ =	vpop (xrf0)  }
0xa0: {  	(v2sf) =	vpush v3, $0xF;
	_ =	sdelay $0xe  }
0xa1: {  	s20 =	sadd.s32 $0x10, s18;
	s22 =	spop (v2sf)  }
0xa2: {  	p0 =	slt.u32 s18, $0xC341;
	s21 =	smov.u32 s18;
	s19 =	sxor.u32 $0x80000000, s22  }
0xa3: {  	s21 =	smov.u32 @p0 s20;
	p1 =	slt.s32 s19, s6  }
0xa4: {  	s18 =	smov.u32 @p1 s21  }
0xa5: {  	s23 =	smin.u32 s18, $0xC348  }
0xa6: {  	s19 =	sadd.s32 $0x7, s23  }
0xa7: {  	v3 =	vmov s19;
	_ =	sdelay $0x4  }
0xa8: {  	v3 =	vld.idx.msk [tilespmem:v3+s4+$0x0], $0xffff;
	_ =	sdelay $0x4  }
0xa9: {  	v3 =	vxor.u32 $0x80000000, v3  }
0xaa: {  	(xrf0) =	vmax.scan.msk.u32 $0xffff, v3;
	_ =	sdelay $0x5  }
0xab: {  	v3, _, _ =	vpop (xrf0)  }
0xac: {  	(v2sf) =	vpush v3, $0xF;
	_ =	sdelay $0xe  }
0xad: {  	s20 =	sadd.s32 $0x8, s18;
	s24 =	spop (v2sf)  }
0xae: {  	p0 =	slt.u32 s18, $0xC349;
	s21 =	smov.u32 s18;
	s19 =	sxor.u32 $0x80000000, s24  }
0xaf: {  	s21 =	smov.u32 @p0 s20;
	p1 =	slt.s32 s19, s6  }
0xb0: {  	s18 =	smov.u32 @p1 s21  }
0xb1: {  	s25 =	smin.u32 s18, $0xC34C  }
0xb2: {  	s19 =	sadd.s32 $0x3, s25  }
0xb3: {  	v3 =	vmov s19;
	_ =	sdelay $0x4  }
0xb4: {  	v3 =	vld.idx.msk [tilespmem:v3+s4+$0x0], $0xffff;
	_ =	sdelay $0x4  }
0xb5: {  	v3 =	vxor.u32 $0x80000000, v3  }
0xb6: {  	(xrf0) =	vmax.scan.msk.u32 $0xffff, v3;
	_ =	sdelay $0x5  }
0xb7: {  	v3, _, _ =	vpop (xrf0)  }
0xb8: {  	(v2sf) =	vpush v3, $0xF;
	_ =	sdelay $0xe  }
0xb9: {  	s20 =	sadd.s32 $0x4, s18;
	s26 =	spop (v2sf)  }
0xba: {  	p0 =	slt.u32 s18, $0xC34D;
	s21 =	smov.u32 s18;
	s19 =	sxor.u32 $0x80000000, s26  }
0xbb: {  	s21 =	smov.u32 @p0 s20;
	p1 =	slt.s32 s19, s6  }
0xbc: {  	s18 =	smov.u32 @p1 s21  }
0xbd: {  	s28 =	smin.u32 s18, $0xC34E  }
0xbe: {  	s19 =	sadd.s32 $0x1, s28  }
0xbf: {  	v3 =	vmov s19;
	_ =	sdelay $0x4  }
0xc0: {  	v3 =	vld.idx.msk [tilespmem:v3+s4+$0x0], $0xffff;
	_ =	sdelay $0x4  }
0xc1: {  	v3 =	vxor.u32 $0x80000000, v3  }
0xc2: {  	(xrf0) =	vmax.scan.msk.u32 $0xffff, v3;
	_ =	sdelay $0x5  }
0xc3: {  	v3, _, _ =	vpop (xrf0)  }
0xc4: {  	(v2sf) =	vpush v3, $0xF;
	_ =	sdelay $0xe  }
0xc5: {  	s20 =	sadd.s32 $0x2, s18;
	s29 =	spop (v2sf)  }
0xc6: {  	p0 =	slt.u32 s18, $0xC34F;
	s21 =	smov.u32 s18;
	s19 =	sxor.u32 $0x80000000, s29  }
0xc7: {  	s21 =	smov.u32 @p0 s20;
	p1 =	slt.s32 s19, s6  }
0xc8: {  	s18 =	smov.u32 @p1 s21  }
0xc9: {  	s30 =	smin.u32 s18, $0xC34F  }
0xca: {  	v3 =	vmov s30;
	_ =	sdelay $0x4  }
0xcb: {  	v3 =	vld.idx.msk [tilespmem:v3+s4+$0x0], $0xffff;
	_ =	sdelay $0x4  }
0xcc: {  	v3 =	vxor.u32 $0x80000000, v3  }
0xcd: {  	(xrf0) =	vmax.scan.msk.u32 $0xffff, v3;
	_ =	sdelay $0x5  }
0xce: {  	v3, _, _ =	vpop (xrf0)  }
0xcf: {  	(v2sf) =	vpush v3, $0xF;
	_ =	sdelay $0xe  }
0xd0: {  	s31 =	spop (v2sf)  }
0xd1: {  	s19 =	sxor.u32 $0x80000000, s31  }
0xd2: {  	p5 =	slt.u32 s18, $0xC350;
	p6 =	slt.s32 s19, s6  }
0xd3: {  	p0 =	por !p6, !p5  }
0xd4: {  	s19 =	simm.s32 $0x1;
	p0 =	por !p0, !p0  }
0xd5: {  	s19 =	simm.s32 @!p0 $0x0  }
0xd6: {  	s18 =	sadd.s32 s19, s18;
	s19 =	simm.s32 $0x0  }
.LBB2_2:
0xd7: {  	v23 =	vimm.f32 $0.0e+00  }
0xd8: {  	v6 =	vimm.f32 $0.0e+00;
	v7 =	vimm.f32 $0.0e+00;
	v8 =	vimm.f32 $0.0e+00  }
0xd9: {  	v12 =	vimm.f32 $0.0e+00;
	v11 =	vimm.f32 $0.0e+00;
	v10 =	vimm.f32 $0.0e+00  }
0xda: {  	v9 =	vimm.f32 $0.0e+00;
	v16 =	vimm.f32 $0.0e+00;
	v15 =	vimm.f32 $0.0e+00  }
0xdb: {  	v14 =	vimm.f32 $0.0e+00;
	v13 =	vimm.f32 $0.0e+00;
	v24 =	vimm.f32 $0.0e+00  }
0xdc: {  	s20 =	sor.u32 s6, s19;
	v26 =	vimm.f32 $0.0e+00;
	v25 =	vimm.f32 $0.0e+00;
	v28 =	vimm.f32 $0.0e+00  }
0xdd: {  	v27 =	vimm.f32 $0.0e+00;
	v29 =	vimm.f32 $0.0e+00;
	v4 =	vmov s20  }
0xde: {  	v30 =	vimm.f32 $0.0e+00;
	v31 =	vimm.f32 $0.0e+00;
	v32 =	vimm.f32 $0.0e+00  }
0xdf: {  	v34 =	vimm.f32 $0.0e+00;
	v33 =	vimm.f32 $0.0e+00;
	v35 =	vimm.f32 $0.0e+00  }
0xe0: {  	v38 =	vimm.f32 $0.0e+00;
	v37 =	vimm.f32 $0.0e+00;
	v36 =	vimm.f32 $0.0e+00  }
0xe1: {  	v40 =	vimm.f32 $0.0e+00;
	v39 =	vimm.f32 $0.0e+00;
	v41 =	vimm.f32 $0.0e+00  }
0xe2: {  	v42 =	vimm.f32 $0.0e+00;
	v43 =	vimm.f32 $0.0e+00;
	v3 =	vimm.f32 $0.0e+00;
	v5 =	vld.idx.msk [tilespmem:v4+s12+$0x0], $0xffff  }
.LBB2_3:
0xe3: {  	s20 =	sand.u32 $0x7, s18  }
0xe4: {  	s21 =	sshra.s32 s18, $0x1F;
	p0 =	slt.s32 s18, $0x1;
	p1 =	sne.s32 s20, $0x0  }
0xe5: {  	s21 =	sshrl.u32 s21, $0x1D;
	p0 =	por !p0, !p1  }
0xe6: {  	s20 =	sadd.s32 s21, s18;
	s21 =	simm.s32 $0x1;
	p0 =	por !p0, !p0  }
0xe7: {  	s20 =	sshrl.u32 s20, $0x3;
	s21 =	simm.s32 @!p0 $0x0  }
0xe8: {  	s20 =	ssub.s32 s20, s21  }
0xe9: {  	s20 =	sshll.u32 s20, $0x3  }
0xea: {  	p0 =	slt.s32 s20, $0xC2F0  }
0xeb: {  	s20 =	simm.s32 @!p0 $0xC2F0  }
0xec: {  	s22 =	sshll.u32 s20, $0x6  }
0xed: {  	s21 =	simm.s32 $0x0;
	s22 =	sadd.s32 s1, s22  }
0xee: {  	[tilespmem:s13], [sflag:$0x1] =	stream.linear.gather [hbm4b:s22+s21], $0xC000, $0x38;
	[tilespmem:$0x1D880] =	vst v63  }
0xef: {  	_ =	swait.ge [sflag:s11], $0xC000  }
0xf0: {  	s23 =	sshrl.u32 s20, $0x3;
	[sflag:s11] =	ssyncset.done $0x0  }
0xf1: {  	s22 =	sadd.s32 s5, s23;
	[sflag:s11] =	ssyncadd.s32 $0xFFFF4000  }
0xf2: {  	[tilespmem:s14], [sflag:$0x1] =	stream.linear.gather [hbm4b:s22+s21], $0x60, $0x38;
	[tilespmem:$0x1D880] =	vst v63  }
0xf3: {  	_ =	swait.ge [sflag:s11], $0x60  }
0xf4: {  	[sflag:s11] =	ssyncset.done $0x0  }
0xf5: {  	[sflag:s11] =	ssyncadd.s32 $0xFFFFFFA0  }
0xf6: {  	v17 =	vld [tilespmem:$0xC380];
	_ =	sdelay $0x4  }
0xf7: {  	v17 =	vadd.f32 v17, v5;
	_ =	sdelay $0x1  }
0xf8: {  	v18 =	vmul.f32 $9.999999770e-03, v17  }
0xf9: {  	vm0 =	vge.f32 v17, $0.0e+00  }
0xfa: {  	v17 =	vsel vm0, v17, v18;
	v18 =	vld [tilespmem:$0xC390]  }
0xfb: {  	v19 =	vadd.s32 s20, v1;
	v17 =	vmul.f32 $1.442695020e+00, v17;
	_ =	sdelay $0x1  }
0xfc: {  	(erf) = vpow2.f32 v17;
	_ =	sdelay $0x1  }
0xfd: {  	v17 =	vadd.f32 v18, v5  }
0xfe: {  	v18 =	vld.idx.msk [tilespmem:v19+s21+$0x0], $0xffff  }
0xff: {  	v20 =	vmul.f32 $9.999999770e-03, v17  }
0x100: {  	vm0 =	vge.f32 v17, $0.0e+00  }
0x101: {  	s24 =	sadd.s32 $0x10, s20;
	v17 =	vsel vm0, v17, v20;
	v20 =	vld [tilespmem:$0xC3A0]  }
0x102: {  	v21 =	vadd.s32 s24, v1;
	v17 =	vmul.f32 $1.442695020e+00, v17  }
0x103: {  	vm1 =	vge.s32 v19, s18;
	vm0 =	veq.s32 v18, v4  }
0x104: {  	vm0 =	vmand vm1, vm0;
	v18 =	vpop (erf);
	(erf) = vpow2.f32 v17  }
0x105: {  	v17 =	vnsel vm0, $0x0, v18  }
0x106: {  	[tilespmem:$0x18800] =	vst v17;
	v18 =	vadd.f32 v20, v5  }
0x107: {  	v19 =	vld.idx.msk [tilespmem:v21+s21+$0x0], $0xffff  }
0x108: {  	v20 =	vmul.f32 $9.999999770e-03, v18  }
0x109: {  	vm1 =	vge.f32 v18, $0.0e+00  }
0x10a: {  	s25 =	sadd.s32 $0x20, s20;
	v18 =	vsel vm1, v18, v20;
	v20 =	vld [tilespmem:$0xC3B0]  }
0x10b: {  	v22 =	vadd.s32 s25, v1;
	v18 =	vmul.f32 $1.442695020e+00, v18  }
0x10c: {  	vm2 =	vge.s32 v21, s18;
	vm1 =	veq.s32 v19, v4  }
0x10d: {  	vm1 =	vmand vm2, vm1;
	v19 =	vpop (erf);
	(erf) = vpow2.f32 v18  }
0x10e: {  	v18 =	vnsel vm1, $0x0, v19  }
0x10f: {  	[tilespmem:$0x18810] =	vst v18;
	v19 =	vadd.f32 v20, v5  }
0x110: {  	v20 =	vld.idx.msk [tilespmem:v22+s21+$0x0], $0xffff  }
0x111: {  	v21 =	vmul.f32 $9.999999770e-03, v19  }
0x112: {  	vm2 =	vge.f32 v19, $0.0e+00  }
0x113: {  	s26 =	sadd.s32 $0x30, s20;
	v19 =	vsel vm2, v19, v21;
	v21 =	vld [tilespmem:$0xC3C0]  }
0x114: {  	v44 =	vadd.s32 s26, v1;
	v19 =	vmul.f32 $1.442695020e+00, v19  }
0x115: {  	vm3 =	vge.s32 v22, s18;
	vm2 =	veq.s32 v20, v4  }
0x116: {  	vm2 =	vmand vm3, vm2;
	v20 =	vpop (erf);
	(erf) = vpow2.f32 v19  }
0x117: {  	v19 =	vnsel vm2, $0x0, v20  }
0x118: {  	[tilespmem:$0x18820] =	vst v19;
	v20 =	vadd.f32 v21, v5  }
0x119: {  	v21 =	vld.idx.msk [tilespmem:v44+s21+$0x0], $0xffff  }
0x11a: {  	v22 =	vmul.f32 $9.999999770e-03, v20  }
0x11b: {  	vm3 =	vge.f32 v20, $0.0e+00  }
0x11c: {  	s28 =	sadd.s32 $0x40, s20;
	v20 =	vsel vm3, v20, v22;
	v22 =	vld [tilespmem:$0xC3D0]  }
0x11d: {  	v45 =	vadd.s32 s28, v1;
	v20 =	vmul.f32 $1.442695020e+00, v20  }
0x11e: {  	vm4 =	vge.s32 v44, s18;
	vm3 =	veq.s32 v21, v4  }
0x11f: {  	vm3 =	vmand vm4, vm3;
	v21 =	vpop (erf);
	(erf) = vpow2.f32 v20  }
0x120: {  	v20 =	vnsel vm3, $0x0, v21  }
0x121: {  	[tilespmem:$0x18830] =	vst v20;
	v21 =	vadd.f32 v22, v5  }
0x122: {  	v22 =	vld.idx.msk [tilespmem:v45+s21+$0x0], $0xffff  }
0x123: {  	v58 =	vmul.f32 $9.999999770e-03, v21  }
0x124: {  	vm4 =	vge.f32 v21, $0.0e+00  }
0x125: {  	s29 =	sadd.s32 $0x50, s20;
	v21 =	vsel vm4, v21, v58  }
0x126: {  	v59 =	vadd.s32 s29, v1;
	v21 =	vmul.f32 $1.442695020e+00, v21  }
0x127: {  	vm5 =	vge.s32 v45, s18;
	vm4 =	veq.s32 v22, v4  }
0x128: {  	vm4 =	vmand vm5, vm4;
	v22 =	vpop (erf);
	(erf) = vpow2.f32 v21  }
0x129: {  	v22 =	vnsel vm4, $0x0, v22  }
0x12a: {  	[tilespmem:$0x18840] =	vst v22  }
0x12b: {  	v21 =	vld.idx.msk [tilespmem:v59+s21+$0x0], $0xffff;
	_ =	sdelay $0x3  }
0x12c: {  	v60 =	vmov s21  }
0x12d: {  	vm6 =	vge.s32 v59, s18;
	vm5 =	veq.s32 v21, v4  }
0x12e: {  	vm5 =	vmand vm6, vm5;
	v21 =	vpop (erf)  }
0x12f: {  	v21 =	vnsel vm5, $0x0, v21  }
0x130: {  	s24 =	sand.u32 $0x380, s21;
	s23 =	sand.u32 $0xF000, s21;
	s30 =	rddreg [dreg:$0x5];
	[tilespmem:$0x18850] =	vst v21  }
0x131: {  	s22 =	sor.u32 s24, s23;
	v44 =	vld.idx.msk [tilespmem:v60+s30+$0x0], $0xffff  }
0x132: {  	v61 =	vld [tilespmem:s22+$0xD470]  }
0x133: {  	v46 =	vld [tilespmem:s22+$0xC800]  }
0x134: {  	v47 =	vld [tilespmem:s22+$0xC810]  }
0x135: {  	v48 =	vld [tilespmem:s22+$0xC820]  }
0x136: {  	v49 =	vld [tilespmem:s22+$0xC830]  }
0x137: {  	v50 =	vld [tilespmem:s22+$0xC840]  }
0x138: {  	v51 =	vld [tilespmem:s22+$0xC850]  }
0x139: {  	v52 =	vld [tilespmem:s22+$0xC860]  }
0x13a: {  	v53 =	vld [tilespmem:s22+$0xC870]  }
0x13b: {  	v54 =	vld [tilespmem:s22+$0xCC00]  }
0x13c: {  	v55 =	vld [tilespmem:s22+$0xCC10]  }
0x13d: {  	v56 =	vld [tilespmem:s22+$0xCC20]  }
0x13e: {  	v57 =	vld [tilespmem:s22+$0xCC30];
	v45 =	vmul.f32 v61, v44;
	v46 =	vmul.f32 v46, v44  }
0x13f: {  	v58 =	vld [tilespmem:s22+$0xCC40];
	v47 =	vmul.f32 v47, v44;
	v62 =	vmul.f32 v48, v44  }
0x140: {  	v63 =	vmul.f32 v49, v44;
	v59 =	vmul.f32 v50, v44;
	v49 =	vld [tilespmem:s22+$0xCC60]  }
0x141: {  	v60 =	vmul.f32 v51, v44;
	v51 =	vld [tilespmem:s22+$0xCC70];
	v23 =	vadd.f32 v45, v23;
	v43 =	vadd.f32 v46, v43  }
0x142: {  	v61 =	vmul.f32 v52, v44;
	v48 =	vld [tilespmem:s22+$0xD000];
	v42 =	vadd.f32 v47, v42;
	v41 =	vadd.f32 v62, v41  }
0x143: {  	v50 =	vld [tilespmem:s22+$0xD010];
	v39 =	vadd.f32 v63, v39;
	v40 =	vadd.f32 v59, v40;
	v62 =	vmul.f32 v53, v44  }
0x144: {  	v46 =	vld [tilespmem:s22+$0xCC50];
	v36 =	vadd.f32 v60, v36;
	v63 =	vmul.f32 v54, v44;
	v59 =	vmul.f32 v55, v44  }
0x145: {  	s31 =	simm.s32 $0x1;
	v37 =	vadd.f32 v61, v37;
	v60 =	vmul.f32 v56, v44;
	v53 =	vld [tilespmem:s22+$0xD020];
	v61 =	vmul.f32 v57, v44  }
0x146: {  	v45 =	vmov s31;
	v38 =	vadd.f32 v62, v38;
	v35 =	vadd.f32 v63, v35;
	v63 =	vld [tilespmem:s22+$0xD030]  }
0x147: {  	v52 =	vld [tilespmem:s22+$0xD040];
	v62 =	vmul.f32 v58, v44;
	v33 =	vadd.f32 v59, v33;
	v34 =	vadd.f32 v60, v34  }
0x148: {  	v32 =	vadd.f32 v61, v32;
	v58 =	vld [tilespmem:s22+$0xD050];
	v57 =	vmul.f32 v49, v44;
	v59 =	vmul.f32 v51, v44  }
0x149: {  	v47 =	vld [tilespmem:s22+$0xD060];
	v60 =	vmul.f32 v48, v44;
	v61 =	vmul.f32 v50, v44;
	v31 =	vadd.f32 v62, v31  }
0x14a: {  	v48 =	vld [tilespmem:s22+$0xD070];
	v46 =	vmul.f32 v46, v44;
	v29 =	vadd.f32 v57, v29;
	v62 =	vmul.f32 v53, v44  }
0x14b: {  	v49 =	vld [tilespmem:s22+$0xD400];
	v27 =	vadd.f32 v59, v27;
	v28 =	vadd.f32 v60, v28;
	v63 =	vmul.f32 v63, v44  }
0x14c: {  	v51 =	vmul.f32 v52, v44;
	v50 =	vld [tilespmem:s22+$0xD420];
	v25 =	vadd.f32 v61, v25;
	v30 =	vadd.f32 v46, v30  }
0x14d: {  	s24 =	simm.s32 $0x2;
	s23 =	simm.s32 $0x0;
	v26 =	vadd.f32 v62, v26;
	v46 =	vld [tilespmem:s22+$0xD410];
	v52 =	vmul.f32 v58, v44;
	v24 =	vadd.f32 v63, v24  }
.LBB2_4:
0x14e: {  	v62 =	vld [tilespmem:s22+$0xD430]  }
0x14f: {  	v63 =	vld [tilespmem:s22+$0xD440]  }
0x150: {  	v57 =	vld [tilespmem:s22+$0xD450];
	s21 =	sadd.s32 $0x80, s21;
	s23 =	sadd.s32 $0x200, s23  }
0x151: {  	s25 =	rddreg [dreg:$0x5];
	v58 =	vld [tilespmem:s22+$0xD460];
	s26 =	sand.u32 $0xF000, s23;
	s28 =	sand.u32 $0x380, s21  }
0x152: {  	v45 =	vld.idx.msk [tilespmem:v45+s25+$0x0], $0xffff;
	s22 =	sor.u32 s28, s26  }
0x153: {  	v61 =	vld [tilespmem:s22+$0xC800]  }
0x154: {  	v54 =	vld [tilespmem:s22+$0xC870]  }
0x155: {  	v55 =	vld [tilespmem:s22+$0xCC00]  }
0x156: {  	v56 =	vmul.f32 v49, v44;
	v59 =	vmul.f32 v50, v44;
	v50 =	vld [tilespmem:s22+$0xD470]  }
0x157: {  	v60 =	vmul.f32 v62, v44;
	v62 =	vmul.f32 v63, v44;
	v63 =	vld [tilespmem:s22+$0xC810]  }
0x158: {  	v53 =	vmul.f32 v58, v44;
	v58 =	vld [tilespmem:s22+$0xC830]  }
0x159: {  	v48 =	vmul.f32 v48, v44;
	v9 =	vadd.f32 v56, v9;
	v56 =	vmul.f32 v57, v44;
	v57 =	vld [tilespmem:s22+$0xC820]  }
0x15a: {  	v11 =	vadd.f32 v59, v11;
	v59 =	vld [tilespmem:s22+$0xC840]  }
0x15b: {  	v47 =	vmul.f32 v47, v44;
	v46 =	vmul.f32 v46, v44;
	v16 =	vadd.f32 v48, v16;
	v44 =	vmovc v45;
	v48 =	vld [tilespmem:s22+$0xD010]  }
0x15c: {  	v12 =	vadd.f32 v60, v12;
	v60 =	vmul.f32 v50, v45;
	v45 =	vmul.f32 v61, v44;
	v61 =	vld [tilespmem:s22+$0xC850]  }
0x15d: {  	v8 =	vadd.f32 v62, v8;
	v62 =	vmul.f32 v63, v44;
	v63 =	vld [tilespmem:s22+$0xC860]  }
0x15e: {  	v6 =	vadd.f32 v53, v6;
	v53 =	vmul.f32 v57, v44;
	v57 =	vld [tilespmem:s22+$0xCC10]  }
0x15f: {  	v13 =	vadd.f32 v51, v13;
	v7 =	vadd.f32 v56, v7;
	v56 =	vmul.f32 v59, v44;
	v59 =	vld [tilespmem:s22+$0xCC20]  }
0x160: {  	v42 =	vadd.f32 v62, v42;
	v62 =	vmul.f32 v54, v44;
	v54 =	vmul.f32 v55, v44;
	v55 =	vld [tilespmem:s22+$0xCC50]  }
0x161: {  	v15 =	vadd.f32 v47, v15;
	v47 =	vmul.f32 v58, v44;
	v58 =	vmul.f32 v61, v44;
	v61 =	vld [tilespmem:s22+$0xCC30]  }
0x162: {  	v14 =	vadd.f32 v52, v14;
	v23 =	vadd.f32 v60, v23;
	v60 =	vmul.f32 v63, v44;
	v63 =	vld [tilespmem:s22+$0xCC40]  }
0x163: {  	v10 =	vadd.f32 v46, v10;
	v40 =	vadd.f32 v56, v40;
	v56 =	vld [tilespmem:s22+$0xCC60]  }
0x164: {  	v36 =	vadd.f32 v58, v36;
	v46 =	vmul.f32 v57, v44;
	v57 =	vmul.f32 v59, v44;
	v58 =	vld [tilespmem:s22+$0xCC70]  }
0x165: {  	v43 =	vadd.f32 v45, v43;
	v37 =	vadd.f32 v60, v37;
	v60 =	vld [tilespmem:s22+$0xD000]  }
0x166: {  	v39 =	vadd.f32 v47, v39;
	v34 =	vadd.f32 v57, v34;
	v57 =	vld [tilespmem:s22+$0xD030];
	v59 =	vmul.f32 v61, v44  }
0x167: {  	v41 =	vadd.f32 v53, v41;
	v38 =	vadd.f32 v62, v38;
	v61 =	vmul.f32 v63, v44;
	v63 =	vld [tilespmem:s22+$0xD020]  }
0x168: {  	v35 =	vadd.f32 v54, v35;
	v62 =	vmul.f32 v55, v44;
	v32 =	vadd.f32 v59, v32;
	v59 =	vld [tilespmem:s22+$0xD040]  }
0x169: {  	p0 =	sne.s32 s24, $0x5F;
	v33 =	vadd.f32 v46, v33;
	v56 =	vmul.f32 v56, v44;
	v31 =	vadd.f32 v61, v31;
	v61 =	vld [tilespmem:s22+$0xD050]  }
.Ltmp0:
0x16a: {  	v49 =	vld [tilespmem:s22+$0xD400];
	v30 =	vadd.f32 v62, v30;
	v62 =	vmul.f32 v48, v44;
	v58 =	vmul.f32 v58, v44;
	(pc) =	sbr.rel @p0 .LBB2_4-.Ltmp0, $4  }
0x16b: {  	v50 =	vld [tilespmem:s22+$0xD420];
	v29 =	vadd.f32 v56, v29;
	v60 =	vmul.f32 v60, v44;
	v52 =	vmul.f32 v57, v44  }
0x16c: {  	v47 =	vld [tilespmem:s22+$0xD060];
	v25 =	vadd.f32 v62, v25;
	v27 =	vadd.f32 v58, v27;
	v63 =	vmul.f32 v63, v44  }
0x16d: {  	v45 =	vmov s24;
	v46 =	vld [tilespmem:s22+$0xD410];
	v28 =	vadd.f32 v60, v28;
	v24 =	vadd.f32 v52, v24  }
0x16e: {  	s24 =	sadd.s32 $0x1, s24;
	v48 =	vld [tilespmem:s22+$0xD070];
	v51 =	vmul.f32 v59, v44;
	v26 =	vadd.f32 v63, v26;
	v52 =	vmul.f32 v61, v44  }
0x16f: {  	v53 =	vld [tilespmem:s22+$0xD430]  }
0x170: {  	v54 =	vld [tilespmem:s22+$0xD440]  }
0x171: {  	v55 =	vld [tilespmem:s22+$0xD450];
	s21 =	sadd.s32 $0x80, s21;
	s23 =	sadd.s32 $0x200, s23  }
0x172: {  	s24 =	rddreg [dreg:$0x5];
	v56 =	vld [tilespmem:s22+$0xD460];
	s23 =	sand.u32 $0xF000, s23;
	s21 =	sand.u32 $0x380, s21  }
0x173: {  	v45 =	vld.idx.msk [tilespmem:v45+s24+$0x0], $0xffff;
	s21 =	sor.u32 s21, s23  }
0x174: {  	v57 =	vld [tilespmem:s21+$0xD470]  }
0x175: {  	v58 =	vld [tilespmem:s21+$0xC800]  }
0x176: {  	v59 =	vld [tilespmem:s21+$0xC810]  }
0x177: {  	v61 =	vsel vm0, $0x1, v2;
	v60 =	vld [tilespmem:s21+$0xC820]  }
0x178: {  	v62 =	vsel vm2, $0x1, v2;
	v13 =	vadd.f32 v51, v13;
	v50 =	vmul.f32 v50, v44;
	v51 =	vld [tilespmem:s21+$0xC830]  }
0x179: {  	v63 =	vsel vm3, $0x1, v2;
	v17 =	vadd.f32 $0.0e+00, v17;
	v14 =	vadd.f32 v52, v14;
	v52 =	vld [tilespmem:s21+$0xC860]  }
0x17a: {  	(xrf0) =	vadd.scan.msk.s32 $0xffff, v61;
	v61 =	vsel vm1, $0x1, v2;
	v47 =	vmul.f32 v47, v44;
	v11 =	vadd.f32 v50, v11;
	v50 =	vld [tilespmem:s21+$0xCC10]  }
0x17b: {  	(xrf0) =	vadd.scan.msk.s32 $0xffff, v61;
	v61 =	vsel vm4, $0x1, v2;
	v17 =	vadd.f32 v18, v17;
	v46 =	vmul.f32 v46, v44;
	v18 =	vld [tilespmem:s21+$0xD430]  }
0x17c: {  	(xrf0) =	vadd.scan.msk.s32 $0xffff, v62;
	v48 =	vmul.f32 v48, v44;
	v15 =	vadd.f32 v47, v15;
	v47 =	vmul.f32 v49, v44;
	v49 =	vld [tilespmem:s21+$0xC840]  }
0x17d: {  	(xrf0) =	vadd.scan.msk.s32 $0xffff, v63;
	v63 =	vsel vm5, $0x1, v2;
	v53 =	vmul.f32 v53, v44;
	v10 =	vadd.f32 v46, v10;
	v46 =	vld [tilespmem:s21+$0xC870]  }
0x17e: {  	v62 =	vmul.f32 v56, v44;
	(xrf0) =	vadd.scan.msk.s32 $0xffff, v61;
	v16 =	vadd.f32 v48, v16;
	v48 =	vld [tilespmem:s21+$0xC850];
	v9 =	vadd.f32 v47, v9  }
0x17f: {  	v47 =	vld [tilespmem:s21+$0xCC00];
	(xrf0) =	vadd.scan.msk.s32 $0xffff, v63;
	v12 =	vadd.f32 v53, v12;
	v53 =	vmul.f32 v54, v44;
	v54 =	vmul.f32 v55, v44  }
0x180: {  	v55 =	vld [tilespmem:s21+$0xCC20];
	v61, _, _ =	vpop (xrf0);
	v6 =	vadd.f32 v62, v6;
	v56 =	vmul.f32 v57, v45;
	v60 =	vmul.f32 v60, v45  }
0x181: {  	v62 =	vmul.f32 v59, v45;
	v63, _, _ =	vpop (xrf0);
	v59 =	vld [tilespmem:s21+$0xCC50];
	(v2sf) =	vpush v61, $0xF;
	v8 =	vadd.f32 v53, v8  }
0x182: {  	v57 =	vld [tilespmem:s21+$0xD020];
	v7 =	vadd.f32 v54, v7;
	v61, _, _ =	vpop (xrf0);
	(v2sf) =	vpush v63, $0xF  }
0x183: {  	v54 =	vld [tilespmem:s21+$0xCC30];
	v23 =	vadd.f32 v56, v23;
	v63, _, _ =	vpop (xrf0);
	(v2sf) =	vpush v61, $0xF  }
0x184: {  	v53 =	vmul.f32 v58, v45;
	v56 =	vld [tilespmem:s21+$0xCC40];
	v41 =	vadd.f32 v60, v41;
	(v2sf) =	vpush v63, $0xF;
	v60, _, _ =	vpop (xrf0)  }
0x185: {  	v42 =	vadd.f32 v62, v42;
	v62 =	vmul.f32 v51, v45;
	v51 =	vld [tilespmem:s21+$0xCC60];
	(v2sf) =	vpush v60, $0xF;
	v63, _, _ =	vpop (xrf0)  }
0x186: {  	v49 =	vmul.f32 v49, v45;
	v43 =	vadd.f32 v53, v43;
	v53 =	vld [tilespmem:s21+$0xCC70];
	(v2sf) =	vpush v63, $0xF  }
0x187: {  	v61 =	vmul.f32 v48, v45;
	v48 =	vld [tilespmem:s21+$0xD000]  }
0x188: {  	v40 =	vadd.f32 v49, v40;
	v47 =	vmul.f32 v47, v45;
	v49 =	vld [tilespmem:s21+$0xD030]  }
0x189: {  	v39 =	vadd.f32 v62, v39;
	v62 =	vmul.f32 v52, v45;
	v52 =	vld [tilespmem:s21+$0xD010]  }
0x18a: {  	v17 =	vadd.f32 v19, v17;
	v35 =	vadd.f32 v47, v35;
	v47 =	vld [tilespmem:s21+$0xD040]  }
0x18b: {  	v36 =	vadd.f32 v61, v36;
	v61 =	vmul.f32 v55, v45;
	v55 =	vld [tilespmem:s21+$0xD060]  }
0x18c: {  	v17 =	vadd.f32 v20, v17;
	v60 =	vmul.f32 v50, v45;
	v50 =	vld [tilespmem:s21+$0xD070]  }
0x18d: {  	v58 =	vmul.f32 v59, v45;
	v37 =	vadd.f32 v62, v37;
	v62 =	vmul.f32 v54, v45;
	v54 =	vld [tilespmem:s21+$0xD050]  }
0x18e: {  	v34 =	vadd.f32 v61, v34;
	v51 =	vmul.f32 v51, v45;
	v61 =	vld [tilespmem:s21+$0xD400]  }
0x18f: {  	v18 =	vmul.f32 v18, v45;
	v17 =	vadd.f32 v22, v17;
	v30 =	vadd.f32 v58, v30;
	v58 =	vld [tilespmem:s21+$0xD440]  }
0x190: {  	v33 =	vadd.f32 v60, v33;
	v60 =	vmul.f32 v48, v45;
	v29 =	vadd.f32 v51, v29;
	v51 =	vld [tilespmem:s21+$0xD410];
	s24 =	spop (v2sf)  }
0x191: {  	v12 =	vadd.f32 v18, v12;
	v32 =	vadd.f32 v62, v32;
	v62 =	vmul.f32 v52, v45;
	v52 =	vld [tilespmem:s21+$0xD420];
	s25 =	spop (v2sf)  }
0x192: {  	v46 =	vmul.f32 v46, v45;
	v17 =	vadd.f32 v21, v17;
	v28 =	vadd.f32 v60, v28;
	v60 =	vld [tilespmem:s21+$0xD450];
	s26 =	spop (v2sf);
	s28 =	sadd.s32 s24, s25  }
0x193: {  	v63 =	vmul.f32 v56, v45;
	v59 =	vmul.f32 v53, v45;
	v25 =	vadd.f32 v62, v25;
	v62 =	vld [tilespmem:s21+$0xD460];
	s29 =	spop (v2sf);
	s21 =	sadd.s32 s26, s28  }
0x194: {  	s20 =	ssub.s32 s20, s18;
	v38 =	vadd.f32 v46, v38;
	v3 =	vadd.f32 v17, v3;
	v49 =	vmul.f32 v49, v45;
	s21 =	sadd.s32 s29, s21;
	s30 =	spop (v2sf)  }
0x195: {  	s20 =	sadd.s32 $0x60, s20;
	v31 =	vadd.f32 v63, v31;
	v63 =	vmul.f32 v57, v45;
	v27 =	vadd.f32 v59, v27;
	s21 =	sadd.s32 s30, s21;
	s31 =	spop (v2sf)  }
0x196: {  	p0 =	slt.s32 s20, $0x1;
	v56 =	vmul.f32 v47, v45;
	v24 =	vadd.f32 v49, v24;
	v59 =	vmul.f32 v55, v45;
	s21 =	sadd.s32 s31, s21  }
0x197: {  	v19 =	vmul.f32 v50, v45;
	v26 =	vadd.f32 v63, v26;
	v57 =	vmul.f32 v54, v45;
	p1 =	seq.s32 @!p0 s21, s20  }
0x198: {  	v13 =	vadd.f32 v56, v13;
	v61 =	vmul.f32 v61, v45;
	v15 =	vadd.f32 v59, v15;
	p0 =	por p0, !p1  }
.Ltmp1:
0x199: {  	v16 =	vadd.f32 v19, v16;
	v14 =	vadd.f32 v57, v14;
	v19 =	vmul.f32 v52, v45;
	(pc) =	sbr.rel @!p0 .LBB2_3-.Ltmp1, $4  }
0x19a: {  	v63 =	vmul.f32 v51, v45;
	v9 =	vadd.f32 v61, v9;
	v20 =	vmul.f32 v60, v45  }
0x19b: {  	v11 =	vadd.f32 v19, v11;
	v19 =	vmul.f32 v58, v45;
	v18 =	vmul.f32 v62, v45  }
0x19c: {  	v10 =	vadd.f32 v63, v10;
	v7 =	vadd.f32 v20, v7  }
0x19d: {  	v8 =	vadd.f32 v19, v8;
	v6 =	vadd.f32 v18, v6;
	s18 =	sadd.s32 s18, s21  }
0x19e: {  	s20 =	sshll.u32 s19, $0x9;
	s21 =	sshll.u32 s19, $0x7  }
0x19f: {  	s22 =	sand.u32 $0x3000, s20;
	s21 =	sand.u32 $0x380, s21  }
0x1a0: {  	s21 =	sor.u32 s21, s22  }
0x1a1: {  	s22 =	sadd.s32 $0x18880, s21;
	[tilespmem:s21+$0x18880] =	vst v43  }
0x1a2: {  	[tilespmem:s22+$0x10] =	vst v42  }
0x1a3: {  	[tilespmem:s22+$0x20] =	vst v41  }
0x1a4: {  	[tilespmem:s22+$0x30] =	vst v39  }
0x1a5: {  	[tilespmem:s22+$0x40] =	vst v40  }
0x1a6: {  	[tilespmem:s22+$0x50] =	vst v36  }
0x1a7: {  	[tilespmem:s22+$0x60] =	vst v37  }
0x1a8: {  	[tilespmem:s22+$0x70] =	vst v38  }
0x1a9: {  	[tilespmem:s22+$0x400] =	vst v35  }
0x1aa: {  	[tilespmem:s22+$0x410] =	vst v33  }
0x1ab: {  	[tilespmem:s22+$0x420] =	vst v34  }
0x1ac: {  	[tilespmem:s22+$0x430] =	vst v32  }
0x1ad: {  	[tilespmem:s22+$0x440] =	vst v31  }
0x1ae: {  	[tilespmem:s22+$0x450] =	vst v30  }
0x1af: {  	[tilespmem:s22+$0x460] =	vst v29  }
0x1b0: {  	[tilespmem:s22+$0x470] =	vst v27  }
0x1b1: {  	[tilespmem:s22+$0x800] =	vst v28  }
0x1b2: {  	[tilespmem:s22+$0x810] =	vst v25  }
0x1b3: {  	[tilespmem:s22+$0x820] =	vst v26  }
0x1b4: {  	[tilespmem:s22+$0x830] =	vst v24  }
0x1b5: {  	[tilespmem:s22+$0x840] =	vst v13  }
0x1b6: {  	[tilespmem:s22+$0x850] =	vst v14  }
0x1b7: {  	[tilespmem:s22+$0x860] =	vst v15  }
0x1b8: {  	[tilespmem:s22+$0x870] =	vst v16  }
0x1b9: {  	[tilespmem:s22+$0xC00] =	vst v9  }
0x1ba: {  	[tilespmem:s22+$0xC10] =	vst v10  }
0x1bb: {  	s19 =	sadd.s32 $0x1, s19;
	[tilespmem:s22+$0xC20] =	vst v11  }
0x1bc: {  	p0 =	sne.s32 s19, $0x20;
	[tilespmem:s22+$0xC30] =	vst v12  }
.Ltmp2:
0x1bd: {  	[tilespmem:s22+$0xC40] =	vst v8;
	(pc) =	sbr.rel @p0 .LBB2_2-.Ltmp2, $4  }
0x1be: {  	[tilespmem:s22+$0xC50] =	vst v7  }
0x1bf: {  	[tilespmem:s22+$0xC60] =	vst v6  }
0x1c0: {  	s20 =	sshrl.u32 s20, $0x2;
	[tilespmem:s22+$0xC70] =	vst v23  }
0x1c1: {  	[tilespmem:s20+$0x1C880] =	vst v3  }
0x1c2: {  	[hbm4b:s8+s4] =	stream.linear.scatter [tilespmem:s15], [sflag:$0x1], $0x4000, $0x38;
	[tilespmem:$0x1D880] =	vst v63  }
0x1c3: {  	s17 =	sadd.s32 $0x1, s17;
	_ =	swait.ge [sflag:s11], $0x4000  }
0x1c4: {  	p0 =	sne.s32 s17, s10;
	[sflag:s11] =	ssyncset.done $0x0  }
.Ltmp3:
0x1c5: {  	[sflag:s11] =	ssyncadd.s32 $0xFFFFC000;
	(pc) =	sbr.rel @p0 .LBB2_1-.Ltmp3, $4  }
0x1c6: {  	[hbm4b:s9+s4] =	stream.linear.scatter [tilespmem:s16], [sflag:$0x1], $0x1000, $0x38;
	[tilespmem:$0x1D880] =	vst v63  }
0x1c7: {  	_ =	swait.ge [sflag:s11], $0x1000  }
0x1c8: {  	[sflag:s11] =	ssyncset.done $0x0  }
0x1c9: {  	[sflag:s11] =	ssyncadd.s32 $0xFFFFF000  }
0x1ca: {  	_ =	sfence.sel $0x180000  }
0x1cb: {  	[bflag:$0x0] =	sbarrier.arrive $0xFFFF  }
0x1cc: {  	p0 =	sne.s32 s3, $0x0;
	_ =	strace $0x90000047  }
0x1cd: {  	s0 =	sadd.s32 @!p0 $0x100000, s0;
	[bflag:$0x2] =	sbarrier.arrive $0xFFFF  }
0x1ce: {  	[sflag:s0] =	ssyncadd.tile.s32 @!p0 $0x1;
	_ =	shalt  }
.Lfunc_end2:
_tile_overlayer_lowered:
.L_overlay_start_2:
0x1cf: {  	(tag) =	ssettag $0x2  }
0x1d0: {  	s0 =	rddreg [dreg:$0x0];
	s2 =	stileid.u32  }
0x1d1: {  	s1 =	rddreg [dreg:$0x1];
	p0 =	sne.s32 s2, $0x0  }
0x1d2: {  	s3 =	rddreg [dreg:$0x2];
	[bflag:$0x3] =	sbarrier.arrive $0xFFFF;
	s2 =	simm.s32 @!p0 $0x1C01  }
0x1d3: {  	[timem:s3], [sflag:s2] =	dma.local @!p0 [hbm:s0], s1  }
0x1d4: {  	s0 =	simm.s32 @!p0 $0x1  }
0x1d5: {  	_ =	swait.ge @!p0 [sflag:s0], s1  }
0x1d6: {  	s1 =	ssub.s32 @!p0 $0x0, s1;
	[sflag:s0] =	ssyncset.done @!p0 $0x0  }
0x1d7: {  	[sflag:s0] =	ssyncadd.s32 @!p0 s1  }
0x1d8: {  	[bflag:$0x3] =	sbarrier.arrive $0xFFFF  }
0x1d9: {  	_ =	shalt  }

</sc_bundles>
